<compile_context>
chip_gen: v7x
topology: tpu7x:2x2x1
jax: 0.10.2.dev20260603
libtpu: 0.0.44.dev20260713+nightly
codegen_flags: <defaults>
</compile_context>

<pallas_src>
import functools

import jax
import jax.numpy as jnp
from jax import lax
from jax.experimental import pallas as pl
from jax.experimental.pallas import tpu as pltpu
from jax.experimental.pallas import tpu_sc as plsc

N = 10000
E = 320000
IN_DIM = 128
D = 64
NC = 2
NS = 16
NW = NC * NS
B = 128
NBLK = E // B
NBW = 79
NBQ = 39
NPAD = 10240
RPS = NPAD // NS

_MESH = plsc.VectorSubcoreMesh(core_axis_name="c", subcore_axis_name="s")


@functools.partial(
    pl.kernel,
    out_type=jax.ShapeDtypeStruct((NC, NPAD), jnp.float32),
    mesh=_MESH,
    scratch_types=[
        pltpu.VMEM_SHARED((NPAD,), jnp.float32),
        pltpu.VMEM((NBW, 2, B), jnp.int32),
        pltpu.VMEM((B,), jnp.float32),
        pltpu.VMEM((RPS,), jnp.float32),
    ],
)
def _deg(ei_hbm, out_hbm, acc, eidx, ones_v, zbuf):
    c = lax.axis_index("c")
    s = lax.axis_index("s")
    wid = s * NC + c
    lo = jnp.where(wid < 4, wid * 79, wid * 78 + 4)
    trip = 78 + jnp.where(wid < 4, 1, 0)
    pltpu.sync_copy(ei_hbm.at[pl.ds(lo, 78)], eidx.at[pl.ds(0, 78)])

    @pl.when(wid < 4)
    def _():
        pltpu.sync_copy(ei_hbm.at[pl.ds(lo + 78, 1)], eidx.at[pl.ds(78, 1)])

    def zfill(i, carry):
        zbuf[pl.ds(i * 16, 16)] = jnp.zeros((16,), jnp.float32)
        return carry

    lax.fori_loop(0, RPS // 16, zfill, 0)
    pltpu.sync_copy(zbuf, acc.at[pl.ds(s * RPS, RPS)])
    for i in range(B // 16):
        ones_v[pl.ds(i * 16, 16)] = jnp.ones((16,), jnp.float32)
    plsc.subcore_barrier()

    def body(j, carry):
        pltpu.sync_copy(ones_v, acc.at[eidx.at[j, 1]], add=True)
        return carry

    lax.fori_loop(0, trip, body, 0)
    plsc.subcore_barrier()
    pltpu.sync_copy(acc.at[pl.ds(s * RPS, RPS)], out_hbm.at[c, pl.ds(s * RPS, RPS)])


@functools.partial(
    pl.kernel,
    out_type=jax.ShapeDtypeStruct((NC, NPAD, D), jnp.float32),
    mesh=_MESH,
    scratch_types=[
        pltpu.VMEM_SHARED((NPAD, D), jnp.float32),
        pltpu.VMEM_SHARED((N, D), jnp.float32),
        pltpu.VMEM((NBW, 2, B), jnp.int32),
        [pltpu.VMEM((B, D), jnp.float32)] * 2,
        [pltpu.SemaphoreType.DMA] * 2,
        [pltpu.SemaphoreType.DMA] * 2,
    ],
    compiler_params=pltpu.CompilerParams(use_tc_tiling_on_sc=False),
)
def _prop(tbl_hbm, ei_hbm, out_hbm, acc, tbl_sh, eidx,
          rows, gsem, ssem):
    c = lax.axis_index("c")
    s = lax.axis_index("s")
    wid = s * NC + c
    lo = jnp.where(wid < 4, wid * 79, wid * 78 + 4)
    trip = 78 + jnp.where(wid < 4, 1, 0)
    pltpu.async_copy(ei_hbm.at[pl.ds(lo, 78)], eidx.at[pl.ds(0, 78)], gsem[0])

    @pl.when(wid < 4)
    def _():
        pltpu.async_copy(ei_hbm.at[pl.ds(lo + 78, 1)], eidx.at[pl.ds(78, 1)], gsem[1])

    pltpu.async_copy(tbl_hbm.at[pl.ds(s * (N // NS), N // NS)],
                     tbl_sh.at[pl.ds(s * (N // NS), N // NS)], ssem[0])

    def zfill(r, carry):
        for k in range(D // 16):
            rows[0][r, pl.ds(k * 16, 16)] = jnp.zeros((16,), jnp.float32)
        return carry

    lax.fori_loop(0, B, zfill, 0)
    for k in range(RPS // B):
        pltpu.sync_copy(rows[0], acc.at[pl.ds(s * RPS + k * B, B)])
    pltpu.make_async_copy(ei_hbm.at[pl.ds(lo, 78)], eidx.at[pl.ds(0, 78)], gsem[0]).wait()

    @pl.when(wid < 4)
    def _():
        pltpu.make_async_copy(ei_hbm.at[pl.ds(lo + 78, 1)],
                              eidx.at[pl.ds(78, 1)], gsem[1]).wait()

    pltpu.make_async_copy(tbl_hbm.at[pl.ds(s * (N // NS), N // NS)],
                          tbl_sh.at[pl.ds(s * (N // NS), N // NS)], ssem[0]).wait()
    plsc.subcore_barrier()
    for b in range(2):
        pltpu.async_copy(tbl_sh.at[eidx.at[b, 0]], rows[b], gsem[b])

    def body(jj, carry):
        j0 = jj * 2
        for b in range(2):
            pltpu.make_async_copy(tbl_sh.at[eidx.at[j0 + b, 0]], rows[b], gsem[b]).wait()
            pltpu.async_copy(rows[b], acc.at[eidx.at[j0 + b, 1]], ssem[b], add=True)
        pltpu.make_async_copy(rows[0], acc.at[eidx.at[j0, 1]], ssem[0]).wait()

        @pl.when(j0 + 2 < trip)
        def _():
            pltpu.async_copy(tbl_sh.at[eidx.at[j0 + 2, 0]], rows[0], gsem[0])

        pltpu.make_async_copy(rows[1], acc.at[eidx.at[j0 + 1, 1]], ssem[1]).wait()

        @pl.when(j0 + 3 < trip)
        def _():
            pltpu.async_copy(tbl_sh.at[eidx.at[j0 + 3, 0]], rows[1], gsem[1])
        return carry

    lax.fori_loop(0, NBQ, body, 0)

    @pl.when(trip > 78)
    def _():
        pltpu.make_async_copy(tbl_sh.at[eidx.at[78, 0]], rows[0], gsem[0]).wait()
        pltpu.sync_copy(rows[0], acc.at[eidx.at[78, 1]], add=True)
    plsc.subcore_barrier()
    pltpu.sync_copy(acc.at[pl.ds(s * RPS, RPS)], out_hbm.at[c, pl.ds(s * RPS, RPS)])


def _tc1_body(x_ref, w_ref, o_ref):
    o_ref[...] = jnp.dot(x_ref[...], w_ref[...], preferred_element_type=jnp.float32)


def _tc_mid_body(p_ref, h_ref, dinv_ref, b_ref, w_ref, o_ref):
    ps = p_ref[0, :N, :] + p_ref[1, :N, :]
    z = jnp.maximum((ps + h_ref[...] * dinv_ref[...]) * dinv_ref[...] + b_ref[...], 0.0)
    o_ref[...] = jnp.dot(z, w_ref[...], preferred_element_type=jnp.float32)


def _tc_fin_body(p_ref, h_ref, dinv_ref, b_ref, w_ref, blin_ref, o_ref):
    ps = p_ref[0, :N, :] + p_ref[1, :N, :]
    z = jnp.maximum((ps + h_ref[...] * dinv_ref[...]) * dinv_ref[...] + b_ref[...], 0.0)
    o_ref[...] = jnp.dot(z, w_ref[...], preferred_element_type=jnp.float32) + blin_ref[...]


def kernel(x, edge_index, W1, b1, W2, b2, lin_W, b_lin):
    f32 = jnp.float32
    ei3 = jnp.transpose(edge_index.astype(jnp.int32).reshape(2, NBLK, B), (1, 0, 2))
    degp = _deg(ei3)
    deg = degp[0, :N] + degp[1, :N] + 1.0
    dinv = jnp.broadcast_to(lax.rsqrt(deg)[:, None], (N, D))

    h1 = pl.pallas_call(
        _tc1_body, out_shape=jax.ShapeDtypeStruct((N, D), f32),
    )(x, W1)
    h1p = h1 * dinv

    p1 = _prop(h1p, ei3)

    h2 = pl.pallas_call(
        _tc_mid_body, out_shape=jax.ShapeDtypeStruct((N, D), f32),
    )(p1, h1, dinv, b1.reshape(1, D), W2)
    h2p = h2 * dinv

    p2 = _prop(h2p, ei3)

    logits = pl.pallas_call(
        _tc_fin_body, out_shape=jax.ShapeDtypeStruct((N, 2), f32),
    )(p2, h2, dinv, b2.reshape(1, D), lin_W, b_lin.reshape(1, 2))
    return logits

# --- scband reference (transcript-rebuilt; emitter-appended) ---
"""Pipeline reference for scband-deep-gcn-63943473103256 (READ-ONLY COPY).

The authoritative reference and input builder live on the scoring server;
editing this copy changes nothing except your own understanding.
"""

import jax, jax.numpy as jnp
import numpy as np

N_NODES = 10000
N_EDGES = 320000
IN_DIM = 128
HID_DIM = 64
OUT_DIM = 2


def setup_inputs(seed: int = 0) -> dict:
    key = jax.random.key(seed)
    ks = jax.random.split(key, 8)
    x = jax.random.normal(ks[0], (N_NODES, IN_DIM), dtype=jnp.float32)
    edge_index = jax.random.randint(ks[1], (2, N_EDGES), 0, N_NODES, dtype=jnp.int64)
    W1 = jax.random.normal(ks[2], (IN_DIM, HID_DIM), dtype=jnp.float32) * (1.0 / np.sqrt(IN_DIM))
    b1 = jnp.zeros((HID_DIM,), dtype=jnp.float32)
    W2 = jax.random.normal(ks[3], (HID_DIM, HID_DIM), dtype=jnp.float32) * (1.0 / np.sqrt(HID_DIM))
    b2 = jnp.zeros((HID_DIM,), dtype=jnp.float32)
    lin_W = jax.random.normal(ks[4], (HID_DIM, OUT_DIM), dtype=jnp.float32) * (1.0 / np.sqrt(HID_DIM))
    b_lin = jnp.zeros((OUT_DIM,), dtype=jnp.float32)
    return {"x": x, "edge_index": edge_index, "W1": W1, "b1": b1, "W2": W2, "b2": b2, "lin_W": lin_W, "b_lin": b_lin}


def _gcn_conv(x, src, dst, W, b):
    # PyG-style GCNConv: h = D^{-1/2} (A + I) D^{-1/2} (x W) + b
    N = x.shape[0]
    h = x @ W
    deg = jnp.zeros((N,), dtype=x.dtype).at[dst].add(1.0)
    dinv = jnp.where(deg > 0, 1.0 / jnp.sqrt(deg), 0.0)
    norm = dinv[src] * dinv[dst]
    msg = h[src] * norm[:, None]
    out = jnp.zeros((N, h.shape[1]), dtype=x.dtype).at[dst].add(msg)
    return out + b


def reference(x, edge_index, W1, b1, W2, b2, lin_W, b_lin):
    N = x.shape[0]
    loop = jnp.arange(N, dtype=edge_index.dtype)
    src = jnp.concatenate([edge_index[0], loop])
    dst = jnp.concatenate([edge_index[1], loop])
    h = _gcn_conv(x, src, dst, W1, b1)
    h = jax.nn.relu(h)
    # dropout is identity in eval mode
    h = _gcn_conv(h, src, dst, W2, b2)
    h = jax.nn.relu(h)
    logits = h @ lin_W + b_lin
    return logits

if __name__ == "__main__":
    import jax
    _d = setup_inputs()
    print(jax.jit(kernel)(*tuple(_d.values())))

</pallas_src>

<mosaic_0001>
#map = affine_map<(d0, d1) -> (0, 0)>
#map1 = affine_map<(d0, d1) -> (0, 0, 0)>
module attributes {stable_mosaic.version = 14 : i64} {
  func.func @_prop(%arg0: i32, %arg1: i32, %arg2: memref<10000x64xf32, #tpu.memory_space<hbm>>, %arg3: memref<2500x2x128xi32, #tpu.memory_space<hbm>>, %arg4: memref<2x10240x64xf32, #tpu.memory_space<hbm>>, %arg5: memref<10240x64xf32, #tpu.memory_space<vmem_shared>>, %arg6: memref<10000x64xf32, #tpu.memory_space<vmem_shared>>, %arg7: memref<79x2x128xi32, #tpu.memory_space<vmem>>, %arg8: memref<128x64xf32, #tpu.memory_space<vmem>>, %arg9: memref<128x64xf32, #tpu.memory_space<vmem>>, %arg10: memref<!tpu.dma_semaphore, #tpu.memory_space<semaphore_mem>>, %arg11: memref<!tpu.dma_semaphore, #tpu.memory_space<semaphore_mem>>, %arg12: memref<!tpu.dma_semaphore, #tpu.memory_space<semaphore_mem>>, %arg13: memref<!tpu.dma_semaphore, #tpu.memory_space<semaphore_mem>>) attributes {dimension_semantics = [#tpu.dimension_semantics<core_parallel>, #tpu.dimension_semantics<subcore_parallel>], iteration_bounds = array<i64: 2, 16>, scalar_prefetch = 0 : i64, scratch_operands = 9 : i64, tpu.core_type = #tpu.core_type<sc_vector_subcore>, window_params = [{transform_indices = #map}, {transform_indices = #map1}, {transform_indices = #map1}]} {
    %mul3A = arith.constant 2 : i32
    %mul3A_0 = arith.muli %arg1, %mul3A : i32
    %add3A = arith.addi %mul3A_0, %arg0 : i32
    %lt3A = arith.constant 4 : i32
    %lt3A_1 = arith.cmpi slt, %add3A, %lt3A : i32
    %mul3A_2 = arith.constant 79 : i32
    %mul3A_3 = arith.muli %add3A, %mul3A_2 : i32
    %mul3A_4 = arith.constant 78 : i32
    %mul3A_5 = arith.muli %add3A, %mul3A_4 : i32
    %add3A_6 = arith.constant 4 : i32
    %add3A_7 = arith.addi %mul3A_5, %add3A_6 : i32
    %select_n3A = arith.select %lt3A_1, %mul3A_3, %add3A_7 : i32
    %lt3A_8 = arith.constant 4 : i32
    %lt3A_9 = arith.cmpi slt, %add3A, %lt3A_8 : i32
    %jit3A = arith.constant 1 : i32
    %jit3A_10 = arith.constant 0 : i32
    %select_n3A_11 = arith.select %lt3A_9, %jit3A, %jit3A_10 : i32
    %add3A_12 = arith.constant 78 : i32
    %add3A_13 = arith.addi %add3A_12, %select_n3A_11 : i32
    %dma_start3A = arith.constant 0 : i32
    %dma_start3A_14 = arith.constant 0 : i32
    %dma_start3A_15 = arith.constant 0 : i32
    %dma_start3A_16 = tpu.memref_slice %arg7[%dma_start3A, %dma_start3A_14, %dma_start3A_15] : memref<79x2x128xi32, #tpu.memory_space<vmem>> -> memref<78x2x128xi32, #tpu.memory_space<vmem>>
    %dma_start3A_17 = arith.constant 0 : i32
    %dma_start3A_18 = arith.constant 0 : i32
    %dma_start3A_19 = tpu.memref_slice %arg3[%select_n3A, %dma_start3A_17, %dma_start3A_18] : memref<2500x2x128xi32, #tpu.memory_space<hbm>> -> memref<78x2x128xi32, #tpu.memory_space<hbm>>
    %dma_start3A_20 = arith.constant 0 : i32
    %dma_start3A_21 = arith.constant 0 : i32
    %dma_start3A_22 = arith.constant 0 : i32
    %dma_start3A_23 = tpu.memref_slice %arg7[%dma_start3A_20, %dma_start3A_21, %dma_start3A_22] : memref<79x2x128xi32, #tpu.memory_space<vmem>> -> memref<78x2x128xi32, #tpu.memory_space<vmem>>
    %dma_start3A_24 = arith.constant 0 : i32
    %dma_start3A_25 = arith.constant 0 : i32
    %dma_start3A_26 = tpu.memref_slice %arg3[%select_n3A, %dma_start3A_24, %dma_start3A_25] : memref<2500x2x128xi32, #tpu.memory_space<hbm>> -> memref<78x2x128xi32, #tpu.memory_space<hbm>>
    tpu.enqueue_dma source(%dma_start3A_26 : memref<78x2x128xi32, #tpu.memory_space<hbm>>) target(%dma_start3A_23 : memref<78x2x128xi32, #tpu.memory_space<vmem>>) target_semaphore(%arg10 : memref<!tpu.dma_semaphore, #tpu.memory_space<semaphore_mem>>)
    %lt3A_27 = arith.constant 4 : i32
    %lt3A_28 = arith.cmpi slt, %add3A, %lt3A_27 : i32
    %convert_element_type3A = arith.extui %lt3A_28 : i1 to i32
    %cond3A = arith.constant 0 : i32
    %cond3A_29 = arith.cmpi ne, %convert_element_type3A, %cond3A : i32
    scf.if %cond3A_29 {
      %add3A_120 = arith.constant 78 : i32
      %add3A_121 = arith.addi %select_n3A, %add3A_120 : i32
      %dma_start3A_122 = arith.constant 78 : i32
      %dma_start3A_123 = arith.constant 0 : i32
      %dma_start3A_124 = arith.constant 0 : i32
      %dma_start3A_125 = tpu.memref_slice %arg7[%dma_start3A_122, %dma_start3A_123, %dma_start3A_124] : memref<79x2x128xi32, #tpu.memory_space<vmem>> -> memref<1x2x128xi32, #tpu.memory_space<vmem>>
      %dma_start3A_126 = arith.constant 0 : i32
      %dma_start3A_127 = arith.constant 0 : i32
      %dma_start3A_128 = tpu.memref_slice %arg3[%add3A_121, %dma_start3A_126, %dma_start3A_127] : memref<2500x2x128xi32, #tpu.memory_space<hbm>> -> memref<1x2x128xi32, #tpu.memory_space<hbm>>
      %dma_start3A_129 = arith.constant 78 : i32
      %dma_start3A_130 = arith.constant 0 : i32
      %dma_start3A_131 = arith.constant 0 : i32
      %dma_start3A_132 = tpu.memref_slice %arg7[%dma_start3A_129, %dma_start3A_130, %dma_start3A_131] : memref<79x2x128xi32, #tpu.memory_space<vmem>> -> memref<1x2x128xi32, #tpu.memory_space<vmem>>
      %dma_start3A_133 = arith.constant 0 : i32
      %dma_start3A_134 = arith.constant 0 : i32
      %dma_start3A_135 = tpu.memref_slice %arg3[%add3A_121, %dma_start3A_133, %dma_start3A_134] : memref<2500x2x128xi32, #tpu.memory_space<hbm>> -> memref<1x2x128xi32, #tpu.memory_space<hbm>>
      tpu.enqueue_dma source(%dma_start3A_135 : memref<1x2x128xi32, #tpu.memory_space<hbm>>) target(%dma_start3A_132 : memref<1x2x128xi32, #tpu.memory_space<vmem>>) target_semaphore(%arg11 : memref<!tpu.dma_semaphore, #tpu.memory_space<semaphore_mem>>)
    } else {
    }
    %mul3A_30 = arith.constant 625 : i32
    %mul3A_31 = arith.muli %arg1, %mul3A_30 : i32
    %mul3A_32 = arith.constant 625 : i32
    %mul3A_33 = arith.muli %arg1, %mul3A_32 : i32
    %dma_start3A_34 = arith.constant 0 : i32
    %dma_start3A_35 = tpu.memref_slice %arg6[%mul3A_33, %dma_start3A_34] : memref<10000x64xf32, #tpu.memory_space<vmem_shared>> -> memref<625x64xf32, #tpu.memory_space<vmem_shared>>
    %dma_start3A_36 = arith.constant 0 : i32
    %dma_start3A_37 = tpu.memref_slice %arg2[%mul3A_31, %dma_start3A_36] : memref<10000x64xf32, #tpu.memory_space<hbm>> -> memref<625x64xf32, #tpu.memory_space<hbm>>
    tpu.enqueue_dma source(%dma_start3A_37 : memref<625x64xf32, #tpu.memory_space<hbm>>) target(%dma_start3A_35 : memref<625x64xf32, #tpu.memory_space<vmem_shared>>) target_semaphore(%arg12 : memref<!tpu.dma_semaphore, #tpu.memory_space<semaphore_mem>>)
    %scan3A = arith.constant 0 : i32
    %scan3A_38 = arith.constant 0 : i32
    %scan3A_39 = arith.constant 128 : i32
    %scan3A_40 = arith.addi %scan3A_38, %scan3A_39 : i32
    %scan3A_41 = arith.constant 1 : i32
    scf.for %scan3A_120 = %scan3A_38 to %scan3A_40 step %scan3A_41  : i32 {
      %broadcast_in_dim3A = arith.constant 0.000000e+00 : f32
      %broadcast_in_dim3A_121 = vector.broadcast %broadcast_in_dim3A : f32 to vector<16xf32>
      %swap3A = arith.index_cast %scan3A_120 : i32 to index
      %swap3A_122 = arith.constant 0 : index
      %swap3A_123 = tpu.vector_load %arg8[%swap3A, %swap3A_122] {strides = array<i32>} : memref<128x64xf32, #tpu.memory_space<vmem>>, vector<1x16xf32>,
      %swap3A_124 = vector.shape_cast %swap3A_123 : vector<1x16xf32> to vector<16xf32>
      %swap3A_125 = vector.shape_cast %broadcast_in_dim3A_121 : vector<16xf32> to vector<1x16xf32>
      tpu.vector_store %arg8[%swap3A, %swap3A_122], %swap3A_125 {strides = array<i32>} : memref<128x64xf32, #tpu.memory_space<vmem>>, vector<1x16xf32>,
      %broadcast_in_dim3A_126 = arith.constant 0.000000e+00 : f32
      %broadcast_in_dim3A_127 = vector.broadcast %broadcast_in_dim3A_126 : f32 to vector<16xf32>
      %swap3A_128 = arith.index_cast %scan3A_120 : i32 to index
      %swap3A_129 = arith.constant 16 : index
      %swap3A_130 = tpu.vector_load %arg8[%swap3A_128, %swap3A_129] {strides = array<i32>} : memref<128x64xf32, #tpu.memory_space<vmem>>, vector<1x16xf32>,
      %swap3A_131 = vector.shape_cast %swap3A_130 : vector<1x16xf32> to vector<16xf32>
      %swap3A_132 = vector.shape_cast %broadcast_in_dim3A_127 : vector<16xf32> to vector<1x16xf32>
      tpu.vector_store %arg8[%swap3A_128, %swap3A_129], %swap3A_132 {strides = array<i32>} : memref<128x64xf32, #tpu.memory_space<vmem>>, vector<1x16xf32>,
      %broadcast_in_dim3A_133 = arith.constant 0.000000e+00 : f32
      %broadcast_in_dim3A_134 = vector.broadcast %broadcast_in_dim3A_133 : f32 to vector<16xf32>
      %swap3A_135 = arith.index_cast %scan3A_120 : i32 to index
      %swap3A_136 = arith.constant 32 : index
      %swap3A_137 = tpu.vector_load %arg8[%swap3A_135, %swap3A_136] {strides = array<i32>} : memref<128x64xf32, #tpu.memory_space<vmem>>, vector<1x16xf32>,
      %swap3A_138 = vector.shape_cast %swap3A_137 : vector<1x16xf32> to vector<16xf32>
      %swap3A_139 = vector.shape_cast %broadcast_in_dim3A_134 : vector<16xf32> to vector<1x16xf32>
      tpu.vector_store %arg8[%swap3A_135, %swap3A_136], %swap3A_139 {strides = array<i32>} : memref<128x64xf32, #tpu.memory_space<vmem>>, vector<1x16xf32>,
      %broadcast_in_dim3A_140 = arith.constant 0.000000e+00 : f32
      %broadcast_in_dim3A_141 = vector.broadcast %broadcast_in_dim3A_140 : f32 to vector<16xf32>
      %swap3A_142 = arith.index_cast %scan3A_120 : i32 to index
      %swap3A_143 = arith.constant 48 : index
      %swap3A_144 = tpu.vector_load %arg8[%swap3A_142, %swap3A_143] {strides = array<i32>} : memref<128x64xf32, #tpu.memory_space<vmem>>, vector<1x16xf32>,
      %swap3A_145 = vector.shape_cast %swap3A_144 : vector<1x16xf32> to vector<16xf32>
      %swap3A_146 = vector.shape_cast %broadcast_in_dim3A_141 : vector<16xf32> to vector<1x16xf32>
      tpu.vector_store %arg8[%swap3A_142, %swap3A_143], %swap3A_146 {strides = array<i32>} : memref<128x64xf32, #tpu.memory_space<vmem>>, vector<1x16xf32>,
    }
    %scan3A_42 = arith.constant 128 : i32
    %mul3A_43 = arith.constant 640 : i32
    %mul3A_44 = arith.muli %arg1, %mul3A_43 : i32
    %add3A_45 = arith.constant 0 : i32
    %add3A_46 = arith.addi %mul3A_44, %add3A_45 : i32
    "tpu.region"() ({
      %run_scoped3A = tpu.sem_alloc : memref<!tpu.dma_semaphore, #tpu.memory_space<semaphore_mem>>
      %dma_start3A_120 = arith.constant 0 : i32
      %dma_start3A_121 = tpu.memref_slice %arg5[%add3A_46, %dma_start3A_120] : memref<10240x64xf32, #tpu.memory_space<vmem_shared>> -> memref<128x64xf32, #tpu.memory_space<vmem_shared>>
      %dma_start3A_122 = arith.constant 0 : i32
      %dma_start3A_123 = tpu.memref_slice %arg5[%add3A_46, %dma_start3A_122] : memref<10240x64xf32, #tpu.memory_space<vmem_shared>> -> memref<128x64xf32, #tpu.memory_space<vmem_shared>>
      tpu.enqueue_dma source(%arg8 : memref<128x64xf32, #tpu.memory_space<vmem>>) target(%dma_start3A_123 : memref<128x64xf32, #tpu.memory_space<vmem_shared>>) target_semaphore(%run_scoped3A : memref<!tpu.dma_semaphore, #tpu.memory_space<semaphore_mem>>)
      %dma_wait3A_124 = arith.constant 0 : i32
      %dma_wait3A_125 = tpu.memref_slice %arg5[%add3A_46, %dma_wait3A_124] : memref<10240x64xf32, #tpu.memory_space<vmem_shared>> -> memref<128x64xf32, #tpu.memory_space<vmem_shared>>
      %dma_wait3A_126 = arith.constant 0 : i32
      %dma_wait3A_127 = tpu.memref_slice %arg5[%add3A_46, %dma_wait3A_126] : memref<10240x64xf32, #tpu.memory_space<vmem_shared>> -> memref<128x64xf32, #tpu.memory_space<vmem_shared>>
      tpu.wait_dma2 semaphore(%run_scoped3A : memref<!tpu.dma_semaphore, #tpu.memory_space<semaphore_mem>>) src(%arg8 : memref<128x64xf32, #tpu.memory_space<vmem>>) dst(%dma_wait3A_127 : memref<128x64xf32, #tpu.memory_space<vmem_shared>>)
      tpu.yield
    }) : () -> ()
    %mul3A_47 = arith.constant 640 : i32
    %mul3A_48 = arith.muli %arg1, %mul3A_47 : i32
    %add3A_49 = arith.constant 128 : i32
    %add3A_50 = arith.addi %mul3A_48, %add3A_49 : i32
    "tpu.region"() ({
      %run_scoped3A = tpu.sem_alloc : memref<!tpu.dma_semaphore, #tpu.memory_space<semaphore_mem>>
      %dma_start3A_120 = arith.constant 0 : i32
      %dma_start3A_121 = tpu.memref_slice %arg5[%add3A_50, %dma_start3A_120] : memref<10240x64xf32, #tpu.memory_space<vmem_shared>> -> memref<128x64xf32, #tpu.memory_space<vmem_shared>>
      %dma_start3A_122 = arith.constant 0 : i32
      %dma_start3A_123 = tpu.memref_slice %arg5[%add3A_50, %dma_start3A_122] : memref<10240x64xf32, #tpu.memory_space<vmem_shared>> -> memref<128x64xf32, #tpu.memory_space<vmem_shared>>
      tpu.enqueue_dma source(%arg8 : memref<128x64xf32, #tpu.memory_space<vmem>>) target(%dma_start3A_123 : memref<128x64xf32, #tpu.memory_space<vmem_shared>>) target_semaphore(%run_scoped3A : memref<!tpu.dma_semaphore, #tpu.memory_space<semaphore_mem>>)
      %dma_wait3A_124 = arith.constant 0 : i32
      %dma_wait3A_125 = tpu.memref_slice %arg5[%add3A_50, %dma_wait3A_124] : memref<10240x64xf32, #tpu.memory_space<vmem_shared>> -> memref<128x64xf32, #tpu.memory_space<vmem_shared>>
      %dma_wait3A_126 = arith.constant 0 : i32
      %dma_wait3A_127 = tpu.memref_slice %arg5[%add3A_50, %dma_wait3A_126] : memref<10240x64xf32, #tpu.memory_space<vmem_shared>> -> memref<128x64xf32, #tpu.memory_space<vmem_shared>>
      tpu.wait_dma2 semaphore(%run_scoped3A : memref<!tpu.dma_semaphore, #tpu.memory_space<semaphore_mem>>) src(%arg8 : memref<128x64xf32, #tpu.memory_space<vmem>>) dst(%dma_wait3A_127 : memref<128x64xf32, #tpu.memory_space<vmem_shared>>)
      tpu.yield
    }) : () -> ()
    %mul3A_51 = arith.constant 640 : i32
    %mul3A_52 = arith.muli %arg1, %mul3A_51 : i32
    %add3A_53 = arith.constant 256 : i32
    %add3A_54 = arith.addi %mul3A_52, %add3A_53 : i32
    "tpu.region"() ({
      %run_scoped3A = tpu.sem_alloc : memref<!tpu.dma_semaphore, #tpu.memory_space<semaphore_mem>>
      %dma_start3A_120 = arith.constant 0 : i32
      %dma_start3A_121 = tpu.memref_slice %arg5[%add3A_54, %dma_start3A_120] : memref<10240x64xf32, #tpu.memory_space<vmem_shared>> -> memref<128x64xf32, #tpu.memory_space<vmem_shared>>
      %dma_start3A_122 = arith.constant 0 : i32
      %dma_start3A_123 = tpu.memref_slice %arg5[%add3A_54, %dma_start3A_122] : memref<10240x64xf32, #tpu.memory_space<vmem_shared>> -> memref<128x64xf32, #tpu.memory_space<vmem_shared>>
      tpu.enqueue_dma source(%arg8 : memref<128x64xf32, #tpu.memory_space<vmem>>) target(%dma_start3A_123 : memref<128x64xf32, #tpu.memory_space<vmem_shared>>) target_semaphore(%run_scoped3A : memref<!tpu.dma_semaphore, #tpu.memory_space<semaphore_mem>>)
      %dma_wait3A_124 = arith.constant 0 : i32
      %dma_wait3A_125 = tpu.memref_slice %arg5[%add3A_54, %dma_wait3A_124] : memref<10240x64xf32, #tpu.memory_space<vmem_shared>> -> memref<128x64xf32, #tpu.memory_space<vmem_shared>>
      %dma_wait3A_126 = arith.constant 0 : i32
      %dma_wait3A_127 = tpu.memref_slice %arg5[%add3A_54, %dma_wait3A_126] : memref<10240x64xf32, #tpu.memory_space<vmem_shared>> -> memref<128x64xf32, #tpu.memory_space<vmem_shared>>
      tpu.wait_dma2 semaphore(%run_scoped3A : memref<!tpu.dma_semaphore, #tpu.memory_space<semaphore_mem>>) src(%arg8 : memref<128x64xf32, #tpu.memory_space<vmem>>) dst(%dma_wait3A_127 : memref<128x64xf32, #tpu.memory_space<vmem_shared>>)
      tpu.yield
    }) : () -> ()
    %mul3A_55 = arith.constant 640 : i32
    %mul3A_56 = arith.muli %arg1, %mul3A_55 : i32
    %add3A_57 = arith.constant 384 : i32
    %add3A_58 = arith.addi %mul3A_56, %add3A_57 : i32
    "tpu.region"() ({
      %run_scoped3A = tpu.sem_alloc : memref<!tpu.dma_semaphore, #tpu.memory_space<semaphore_mem>>
      %dma_start3A_120 = arith.constant 0 : i32
      %dma_start3A_121 = tpu.memref_slice %arg5[%add3A_58, %dma_start3A_120] : memref<10240x64xf32, #tpu.memory_space<vmem_shared>> -> memref<128x64xf32, #tpu.memory_space<vmem_shared>>
      %dma_start3A_122 = arith.constant 0 : i32
      %dma_start3A_123 = tpu.memref_slice %arg5[%add3A_58, %dma_start3A_122] : memref<10240x64xf32, #tpu.memory_space<vmem_shared>> -> memref<128x64xf32, #tpu.memory_space<vmem_shared>>
      tpu.enqueue_dma source(%arg8 : memref<128x64xf32, #tpu.memory_space<vmem>>) target(%dma_start3A_123 : memref<128x64xf32, #tpu.memory_space<vmem_shared>>) target_semaphore(%run_scoped3A : memref<!tpu.dma_semaphore, #tpu.memory_space<semaphore_mem>>)
      %dma_wait3A_124 = arith.constant 0 : i32
      %dma_wait3A_125 = tpu.memref_slice %arg5[%add3A_58, %dma_wait3A_124] : memref<10240x64xf32, #tpu.memory_space<vmem_shared>> -> memref<128x64xf32, #tpu.memory_space<vmem_shared>>
      %dma_wait3A_126 = arith.constant 0 : i32
      %dma_wait3A_127 = tpu.memref_slice %arg5[%add3A_58, %dma_wait3A_126] : memref<10240x64xf32, #tpu.memory_space<vmem_shared>> -> memref<128x64xf32, #tpu.memory_space<vmem_shared>>
      tpu.wait_dma2 semaphore(%run_scoped3A : memref<!tpu.dma_semaphore, #tpu.memory_space<semaphore_mem>>) src(%arg8 : memref<128x64xf32, #tpu.memory_space<vmem>>) dst(%dma_wait3A_127 : memref<128x64xf32, #tpu.memory_space<vmem_shared>>)
      tpu.yield
    }) : () -> ()
    %mul3A_59 = arith.constant 640 : i32
    %mul3A_60 = arith.muli %arg1, %mul3A_59 : i32
    %add3A_61 = arith.constant 512 : i32
    %add3A_62 = arith.addi %mul3A_60, %add3A_61 : i32
    "tpu.region"() ({
      %run_scoped3A = tpu.sem_alloc : memref<!tpu.dma_semaphore, #tpu.memory_space<semaphore_mem>>
      %dma_start3A_120 = arith.constant 0 : i32
      %dma_start3A_121 = tpu.memref_slice %arg5[%add3A_62, %dma_start3A_120] : memref<10240x64xf32, #tpu.memory_space<vmem_shared>> -> memref<128x64xf32, #tpu.memory_space<vmem_shared>>
      %dma_start3A_122 = arith.constant 0 : i32
      %dma_start3A_123 = tpu.memref_slice %arg5[%add3A_62, %dma_start3A_122] : memref<10240x64xf32, #tpu.memory_space<vmem_shared>> -> memref<128x64xf32, #tpu.memory_space<vmem_shared>>
      tpu.enqueue_dma source(%arg8 : memref<128x64xf32, #tpu.memory_space<vmem>>) target(%dma_start3A_123 : memref<128x64xf32, #tpu.memory_space<vmem_shared>>) target_semaphore(%run_scoped3A : memref<!tpu.dma_semaphore, #tpu.memory_space<semaphore_mem>>)
      %dma_wait3A_124 = arith.constant 0 : i32
      %dma_wait3A_125 = tpu.memref_slice %arg5[%add3A_62, %dma_wait3A_124] : memref<10240x64xf32, #tpu.memory_space<vmem_shared>> -> memref<128x64xf32, #tpu.memory_space<vmem_shared>>
      %dma_wait3A_126 = arith.constant 0 : i32
      %dma_wait3A_127 = tpu.memref_slice %arg5[%add3A_62, %dma_wait3A_126] : memref<10240x64xf32, #tpu.memory_space<vmem_shared>> -> memref<128x64xf32, #tpu.memory_space<vmem_shared>>
      tpu.wait_dma2 semaphore(%run_scoped3A : memref<!tpu.dma_semaphore, #tpu.memory_space<semaphore_mem>>) src(%arg8 : memref<128x64xf32, #tpu.memory_space<vmem>>) dst(%dma_wait3A_127 : memref<128x64xf32, #tpu.memory_space<vmem_shared>>)
      tpu.yield
    }) : () -> ()
    %dma_wait3A = arith.constant 0 : i32
    %dma_wait3A_63 = arith.constant 0 : i32
    %dma_wait3A_64 = arith.constant 0 : i32
    %dma_wait3A_65 = tpu.memref_slice %arg7[%dma_wait3A, %dma_wait3A_63, %dma_wait3A_64] : memref<79x2x128xi32, #tpu.memory_space<vmem>> -> memref<78x2x128xi32, #tpu.memory_space<vmem>>
    %dma_wait3A_66 = arith.constant 0 : i32
    %dma_wait3A_67 = arith.constant 0 : i32
    %dma_wait3A_68 = tpu.memref_slice %arg3[%select_n3A, %dma_wait3A_66, %dma_wait3A_67] : memref<2500x2x128xi32, #tpu.memory_space<hbm>> -> memref<78x2x128xi32, #tpu.memory_space<hbm>>
    %dma_wait3A_69 = arith.constant 0 : i32
    %dma_wait3A_70 = arith.constant 0 : i32
    %dma_wait3A_71 = arith.constant 0 : i32
    %dma_wait3A_72 = tpu.memref_slice %arg7[%dma_wait3A_69, %dma_wait3A_70, %dma_wait3A_71] : memref<79x2x128xi32, #tpu.memory_space<vmem>> -> memref<78x2x128xi32, #tpu.memory_space<vmem>>
    %dma_wait3A_73 = arith.constant 0 : i32
    %dma_wait3A_74 = arith.constant 0 : i32
    %dma_wait3A_75 = tpu.memref_slice %arg3[%select_n3A, %dma_wait3A_73, %dma_wait3A_74] : memref<2500x2x128xi32, #tpu.memory_space<hbm>> -> memref<78x2x128xi32, #tpu.memory_space<hbm>>
    tpu.wait_dma2 semaphore(%arg10 : memref<!tpu.dma_semaphore, #tpu.memory_space<semaphore_mem>>) src(%dma_wait3A_75 : memref<78x2x128xi32, #tpu.memory_space<hbm>>) dst(%dma_wait3A_72 : memref<78x2x128xi32, #tpu.memory_space<vmem>>)
    %lt3A_76 = arith.constant 4 : i32
    %lt3A_77 = arith.cmpi slt, %add3A, %lt3A_76 : i32
    %convert_element_type3A_78 = arith.extui %lt3A_77 : i1 to i32
    %cond3A_79 = arith.constant 0 : i32
    %cond3A_80 = arith.cmpi ne, %convert_element_type3A_78, %cond3A_79 : i32
    scf.if %cond3A_80 {
      %add3A_120 = arith.constant 78 : i32
      %add3A_121 = arith.addi %select_n3A, %add3A_120 : i32
      %dma_wait3A_122 = arith.constant 78 : i32
      %dma_wait3A_123 = arith.constant 0 : i32
      %dma_wait3A_124 = arith.constant 0 : i32
      %dma_wait3A_125 = tpu.memref_slice %arg7[%dma_wait3A_122, %dma_wait3A_123, %dma_wait3A_124] : memref<79x2x128xi32, #tpu.memory_space<vmem>> -> memref<1x2x128xi32, #tpu.memory_space<vmem>>
      %dma_wait3A_126 = arith.constant 0 : i32
      %dma_wait3A_127 = arith.constant 0 : i32
      %dma_wait3A_128 = tpu.memref_slice %arg3[%add3A_121, %dma_wait3A_126, %dma_wait3A_127] : memref<2500x2x128xi32, #tpu.memory_space<hbm>> -> memref<1x2x128xi32, #tpu.memory_space<hbm>>
      %dma_wait3A_129 = arith.constant 78 : i32
      %dma_wait3A_130 = arith.constant 0 : i32
      %dma_wait3A_131 = arith.constant 0 : i32
      %dma_wait3A_132 = tpu.memref_slice %arg7[%dma_wait3A_129, %dma_wait3A_130, %dma_wait3A_131] : memref<79x2x128xi32, #tpu.memory_space<vmem>> -> memref<1x2x128xi32, #tpu.memory_space<vmem>>
      %dma_wait3A_133 = arith.constant 0 : i32
      %dma_wait3A_134 = arith.constant 0 : i32
      %dma_wait3A_135 = tpu.memref_slice %arg3[%add3A_121, %dma_wait3A_133, %dma_wait3A_134] : memref<2500x2x128xi32, #tpu.memory_space<hbm>> -> memref<1x2x128xi32, #tpu.memory_space<hbm>>
      tpu.wait_dma2 semaphore(%arg11 : memref<!tpu.dma_semaphore, #tpu.memory_space<semaphore_mem>>) src(%dma_wait3A_135 : memref<1x2x128xi32, #tpu.memory_space<hbm>>) dst(%dma_wait3A_132 : memref<1x2x128xi32, #tpu.memory_space<vmem>>)
    } else {
    }
    %mul3A_81 = arith.constant 625 : i32
    %mul3A_82 = arith.muli %arg1, %mul3A_81 : i32
    %mul3A_83 = arith.constant 625 : i32
    %mul3A_84 = arith.muli %arg1, %mul3A_83 : i32
    %dma_wait3A_85 = arith.constant 0 : i32
    %dma_wait3A_86 = tpu.memref_slice %arg6[%mul3A_84, %dma_wait3A_85] : memref<10000x64xf32, #tpu.memory_space<vmem_shared>> -> memref<625x64xf32, #tpu.memory_space<vmem_shared>>
    %dma_wait3A_87 = arith.constant 0 : i32
    %dma_wait3A_88 = tpu.memref_slice %arg2[%mul3A_82, %dma_wait3A_87] : memref<10000x64xf32, #tpu.memory_space<hbm>> -> memref<625x64xf32, #tpu.memory_space<hbm>>
    tpu.wait_dma2 semaphore(%arg12 : memref<!tpu.dma_semaphore, #tpu.memory_space<semaphore_mem>>) src(%dma_wait3A_88 : memref<625x64xf32, #tpu.memory_space<hbm>>) dst(%dma_wait3A_86 : memref<625x64xf32, #tpu.memory_space<vmem_shared>>)
    %barrier3A = arith.constant 0 : index
    tpu.barrier barrier_id(%barrier3A)
    %dma_start3A_89 = arith.constant 0 : i32
    %dma_start3A_90 = arith.constant 0 : i32
    %dma_start3A_91 = arith.constant 0 : i32
    %dma_start3A_92 = tpu.memref_slice %arg7[%dma_start3A_89, %dma_start3A_90, %dma_start3A_91] : memref<79x2x128xi32, #tpu.memory_space<vmem>> -> memref<1x1x128xi32, #tpu.memory_space<vmem>>
    %dma_start3A_93 = tpu.memref_squeeze %dma_start3A_92 : memref<1x1x128xi32, #tpu.memory_space<vmem>> -> memref<128xi32, #tpu.memory_space<vmem>>
    %dma_start3A_94 = arith.constant 0 : i32
    %dma_start3A_95 = arith.constant 0 : i32
    %dma_start3A_96 = tpu.memref_slice %arg6[%dma_start3A_94, %dma_start3A_95] : memref<10000x64xf32, #tpu.memory_space<vmem_shared>> -> memref<10000x64xf32, #tpu.memory_space<vmem_shared>>
    tpu.enqueue_indirect_dma source(%dma_start3A_96 : memref<10000x64xf32, #tpu.memory_space<vmem_shared>>) target(%arg8 : memref<128x64xf32, #tpu.memory_space<vmem>>) offsets(%dma_start3A_93 : memref<128xi32, #tpu.memory_space<vmem>>) semaphore(%arg10 : memref<!tpu.dma_semaphore, #tpu.memory_space<semaphore_mem>>)
    %dma_start3A_97 = arith.constant 1 : i32
    %dma_start3A_98 = arith.constant 0 : i32
    %dma_start3A_99 = arith.constant 0 : i32
    %dma_start3A_100 = tpu.memref_slice %arg7[%dma_start3A_97, %dma_start3A_98, %dma_start3A_99] : memref<79x2x128xi32, #tpu.memory_space<vmem>> -> memref<1x1x128xi32, #tpu.memory_space<vmem>>
    %dma_start3A_101 = tpu.memref_squeeze %dma_start3A_100 : memref<1x1x128xi32, #tpu.memory_space<vmem>> -> memref<128xi32, #tpu.memory_space<vmem>>
    %dma_start3A_102 = arith.constant 0 : i32
    %dma_start3A_103 = arith.constant 0 : i32
    %dma_start3A_104 = tpu.memref_slice %arg6[%dma_start3A_102, %dma_start3A_103] : memref<10000x64xf32, #tpu.memory_space<vmem_shared>> -> memref<10000x64xf32, #tpu.memory_space<vmem_shared>>
    tpu.enqueue_indirect_dma source(%dma_start3A_104 : memref<10000x64xf32, #tpu.memory_space<vmem_shared>>) target(%arg9 : memref<128x64xf32, #tpu.memory_space<vmem>>) offsets(%dma_start3A_101 : memref<128xi32, #tpu.memory_space<vmem>>) semaphore(%arg11 : memref<!tpu.dma_semaphore, #tpu.memory_space<semaphore_mem>>)
    %scan3A_105 = arith.constant 0 : i32
    %scan3A_106 = arith.constant 0 : i32
    %scan3A_107 = arith.constant 39 : i32
    %scan3A_108 = arith.addi %scan3A_106, %scan3A_107 : i32
    %scan3A_109 = arith.constant 1 : i32
    scf.for %scan3A_120 = %scan3A_106 to %scan3A_108 step %scan3A_109  : i32 {
      %mul3A_121 = arith.constant 2 : i32
      %mul3A_122 = arith.muli %scan3A_120, %mul3A_121 : i32
      %add3A_123 = arith.constant 0 : i32
      %add3A_124 = arith.addi %mul3A_122, %add3A_123 : i32
      %dma_wait3A_125 = arith.constant 0 : i32
      %dma_wait3A_126 = arith.constant 0 : i32
      %dma_wait3A_127 = tpu.memref_slice %arg7[%add3A_124, %dma_wait3A_125, %dma_wait3A_126] : memref<79x2x128xi32, #tpu.memory_space<vmem>> -> memref<1x1x128xi32, #tpu.memory_space<vmem>>
      %dma_wait3A_128 = tpu.memref_squeeze %dma_wait3A_127 : memref<1x1x128xi32, #tpu.memory_space<vmem>> -> memref<128xi32, #tpu.memory_space<vmem>>
      %dma_wait3A_129 = arith.constant 0 : i32
      %dma_wait3A_130 = arith.constant 0 : i32
      %dma_wait3A_131 = tpu.memref_slice %arg6[%dma_wait3A_129, %dma_wait3A_130] : memref<10000x64xf32, #tpu.memory_space<vmem_shared>> -> memref<10000x64xf32, #tpu.memory_space<vmem_shared>>
      tpu.wait_indirect_dma semaphore(%arg10 : memref<!tpu.dma_semaphore, #tpu.memory_space<semaphore_mem>>) src(%dma_wait3A_131 : memref<10000x64xf32, #tpu.memory_space<vmem_shared>>) dst(%arg8 : memref<128x64xf32, #tpu.memory_space<vmem>>)
      %add3A_132 = arith.constant 0 : i32
      %add3A_133 = arith.addi %mul3A_122, %add3A_132 : i32
      %dma_start3A_134 = arith.constant 1 : i32
      %dma_start3A_135 = arith.constant 0 : i32
      %dma_start3A_136 = tpu.memref_slice %arg7[%add3A_133, %dma_start3A_134, %dma_start3A_135] : memref<79x2x128xi32, #tpu.memory_space<vmem>> -> memref<1x1x128xi32, #tpu.memory_space<vmem>>
      %dma_start3A_137 = tpu.memref_squeeze %dma_start3A_136 : memref<1x1x128xi32, #tpu.memory_space<vmem>> -> memref<128xi32, #tpu.memory_space<vmem>>
      %dma_start3A_138 = arith.constant 0 : i32
      %dma_start3A_139 = arith.constant 0 : i32
      %dma_start3A_140 = tpu.memref_slice %arg5[%dma_start3A_138, %dma_start3A_139] : memref<10240x64xf32, #tpu.memory_space<vmem_shared>> -> memref<10240x64xf32, #tpu.memory_space<vmem_shared>>
      tpu.enqueue_indirect_dma source(%arg8 : memref<128x64xf32, #tpu.memory_space<vmem>>) target(%dma_start3A_140 : memref<10240x64xf32, #tpu.memory_space<vmem_shared>>) offsets(%dma_start3A_137 : memref<128xi32, #tpu.memory_space<vmem>>) semaphore(%arg12 : memref<!tpu.dma_semaphore, #tpu.memory_space<semaphore_mem>>) {add = true}
      %add3A_141 = arith.constant 1 : i32
      %add3A_142 = arith.addi %mul3A_122, %add3A_141 : i32
      %dma_wait3A_143 = arith.constant 0 : i32
      %dma_wait3A_144 = arith.constant 0 : i32
      %dma_wait3A_145 = tpu.memref_slice %arg7[%add3A_142, %dma_wait3A_143, %dma_wait3A_144] : memref<79x2x128xi32, #tpu.memory_space<vmem>> -> memref<1x1x128xi32, #tpu.memory_space<vmem>>
      %dma_wait3A_146 = tpu.memref_squeeze %dma_wait3A_145 : memref<1x1x128xi32, #tpu.memory_space<vmem>> -> memref<128xi32, #tpu.memory_space<vmem>>
      %dma_wait3A_147 = arith.constant 0 : i32
      %dma_wait3A_148 = arith.constant 0 : i32
      %dma_wait3A_149 = tpu.memref_slice %arg6[%dma_wait3A_147, %dma_wait3A_148] : memref<10000x64xf32, #tpu.memory_space<vmem_shared>> -> memref<10000x64xf32, #tpu.memory_space<vmem_shared>>
      tpu.wait_indirect_dma semaphore(%arg11 : memref<!tpu.dma_semaphore, #tpu.memory_space<semaphore_mem>>) src(%dma_wait3A_149 : memref<10000x64xf32, #tpu.memory_space<vmem_shared>>) dst(%arg9 : memref<128x64xf32, #tpu.memory_space<vmem>>)
      %add3A_150 = arith.constant 1 : i32
      %add3A_151 = arith.addi %mul3A_122, %add3A_150 : i32
      %dma_start3A_152 = arith.constant 1 : i32
      %dma_start3A_153 = arith.constant 0 : i32
      %dma_start3A_154 = tpu.memref_slice %arg7[%add3A_151, %dma_start3A_152, %dma_start3A_153] : memref<79x2x128xi32, #tpu.memory_space<vmem>> -> memref<1x1x128xi32, #tpu.memory_space<vmem>>
      %dma_start3A_155 = tpu.memref_squeeze %dma_start3A_154 : memref<1x1x128xi32, #tpu.memory_space<vmem>> -> memref<128xi32, #tpu.memory_space<vmem>>
      %dma_start3A_156 = arith.constant 0 : i32
      %dma_start3A_157 = arith.constant 0 : i32
      %dma_start3A_158 = tpu.memref_slice %arg5[%dma_start3A_156, %dma_start3A_157] : memref<10240x64xf32, #tpu.memory_space<vmem_shared>> -> memref<10240x64xf32, #tpu.memory_space<vmem_shared>>
      tpu.enqueue_indirect_dma source(%arg9 : memref<128x64xf32, #tpu.memory_space<vmem>>) target(%dma_start3A_158 : memref<10240x64xf32, #tpu.memory_space<vmem_shared>>) offsets(%dma_start3A_155 : memref<128xi32, #tpu.memory_space<vmem>>) semaphore(%arg13 : memref<!tpu.dma_semaphore, #tpu.memory_space<semaphore_mem>>) {add = true}
      %dma_wait3A_159 = arith.constant 1 : i32
      %dma_wait3A_160 = arith.constant 0 : i32
      %dma_wait3A_161 = tpu.memref_slice %arg7[%mul3A_122, %dma_wait3A_159, %dma_wait3A_160] : memref<79x2x128xi32, #tpu.memory_space<vmem>> -> memref<1x1x128xi32, #tpu.memory_space<vmem>>
      %dma_wait3A_162 = tpu.memref_squeeze %dma_wait3A_161 : memref<1x1x128xi32, #tpu.memory_space<vmem>> -> memref<128xi32, #tpu.memory_space<vmem>>
      %dma_wait3A_163 = arith.constant 0 : i32
      %dma_wait3A_164 = arith.constant 0 : i32
      %dma_wait3A_165 = tpu.memref_slice %arg5[%dma_wait3A_163, %dma_wait3A_164] : memref<10240x64xf32, #tpu.memory_space<vmem_shared>> -> memref<10240x64xf32, #tpu.memory_space<vmem_shared>>
      tpu.wait_indirect_dma semaphore(%arg12 : memref<!tpu.dma_semaphore, #tpu.memory_space<semaphore_mem>>) src(%arg8 : memref<128x64xf32, #tpu.memory_space<vmem>>) dst(%dma_wait3A_165 : memref<10240x64xf32, #tpu.memory_space<vmem_shared>>)
      %add3A_166 = arith.constant 2 : i32
      %add3A_167 = arith.addi %mul3A_122, %add3A_166 : i32
      %lt3A_168 = arith.cmpi slt, %add3A_167, %add3A_13 : i32
      %convert_element_type3A_169 = arith.extui %lt3A_168 : i1 to i32
      %cond3A_170 = arith.constant 0 : i32
      %cond3A_171 = arith.cmpi ne, %convert_element_type3A_169, %cond3A_170 : i32
      scf.if %cond3A_171 {
        %add3A_187 = arith.constant 2 : i32
        %add3A_188 = arith.addi %mul3A_122, %add3A_187 : i32
        %dma_start3A_189 = arith.constant 0 : i32
        %dma_start3A_190 = arith.constant 0 : i32
        %dma_start3A_191 = tpu.memref_slice %arg7[%add3A_188, %dma_start3A_189, %dma_start3A_190] : memref<79x2x128xi32, #tpu.memory_space<vmem>> -> memref<1x1x128xi32, #tpu.memory_space<vmem>>
        %dma_start3A_192 = tpu.memref_squeeze %dma_start3A_191 : memref<1x1x128xi32, #tpu.memory_space<vmem>> -> memref<128xi32, #tpu.memory_space<vmem>>
        %dma_start3A_193 = arith.constant 0 : i32
        %dma_start3A_194 = arith.constant 0 : i32
        %dma_start3A_195 = tpu.memref_slice %arg6[%dma_start3A_193, %dma_start3A_194] : memref<10000x64xf32, #tpu.memory_space<vmem_shared>> -> memref<10000x64xf32, #tpu.memory_space<vmem_shared>>
        tpu.enqueue_indirect_dma source(%dma_start3A_195 : memref<10000x64xf32, #tpu.memory_space<vmem_shared>>) target(%arg8 : memref<128x64xf32, #tpu.memory_space<vmem>>) offsets(%dma_start3A_192 : memref<128xi32, #tpu.memory_space<vmem>>) semaphore(%arg10 : memref<!tpu.dma_semaphore, #tpu.memory_space<semaphore_mem>>)
      } else {
      }
      %add3A_172 = arith.constant 1 : i32
      %add3A_173 = arith.addi %mul3A_122, %add3A_172 : i32
      %dma_wait3A_174 = arith.constant 1 : i32
      %dma_wait3A_175 = arith.constant 0 : i32
      %dma_wait3A_176 = tpu.memref_slice %arg7[%add3A_173, %dma_wait3A_174, %dma_wait3A_175] : memref<79x2x128xi32, #tpu.memory_space<vmem>> -> memref<1x1x128xi32, #tpu.memory_space<vmem>>
      %dma_wait3A_177 = tpu.memref_squeeze %dma_wait3A_176 : memref<1x1x128xi32, #tpu.memory_space<vmem>> -> memref<128xi32, #tpu.memory_space<vmem>>
      %dma_wait3A_178 = arith.constant 0 : i32
      %dma_wait3A_179 = arith.constant 0 : i32
      %dma_wait3A_180 = tpu.memref_slice %arg5[%dma_wait3A_178, %dma_wait3A_179] : memref<10240x64xf32, #tpu.memory_space<vmem_shared>> -> memref<10240x64xf32, #tpu.memory_space<vmem_shared>>
      tpu.wait_indirect_dma semaphore(%arg13 : memref<!tpu.dma_semaphore, #tpu.memory_space<semaphore_mem>>) src(%arg9 : memref<128x64xf32, #tpu.memory_space<vmem>>) dst(%dma_wait3A_180 : memref<10240x64xf32, #tpu.memory_space<vmem_shared>>)
      %add3A_181 = arith.constant 3 : i32
      %add3A_182 = arith.addi %mul3A_122, %add3A_181 : i32
      %lt3A_183 = arith.cmpi slt, %add3A_182, %add3A_13 : i32
      %convert_element_type3A_184 = arith.extui %lt3A_183 : i1 to i32
      %cond3A_185 = arith.constant 0 : i32
      %cond3A_186 = arith.cmpi ne, %convert_element_type3A_184, %cond3A_185 : i32
      scf.if %cond3A_186 {
        %add3A_187 = arith.constant 3 : i32
        %add3A_188 = arith.addi %mul3A_122, %add3A_187 : i32
        %dma_start3A_189 = arith.constant 0 : i32
        %dma_start3A_190 = arith.constant 0 : i32
        %dma_start3A_191 = tpu.memref_slice %arg7[%add3A_188, %dma_start3A_189, %dma_start3A_190] : memref<79x2x128xi32, #tpu.memory_space<vmem>> -> memref<1x1x128xi32, #tpu.memory_space<vmem>>
        %dma_start3A_192 = tpu.memref_squeeze %dma_start3A_191 : memref<1x1x128xi32, #tpu.memory_space<vmem>> -> memref<128xi32, #tpu.memory_space<vmem>>
        %dma_start3A_193 = arith.constant 0 : i32
        %dma_start3A_194 = arith.constant 0 : i32
        %dma_start3A_195 = tpu.memref_slice %arg6[%dma_start3A_193, %dma_start3A_194] : memref<10000x64xf32, #tpu.memory_space<vmem_shared>> -> memref<10000x64xf32, #tpu.memory_space<vmem_shared>>
        tpu.enqueue_indirect_dma source(%dma_start3A_195 : memref<10000x64xf32, #tpu.memory_space<vmem_shared>>) target(%arg9 : memref<128x64xf32, #tpu.memory_space<vmem>>) offsets(%dma_start3A_192 : memref<128xi32, #tpu.memory_space<vmem>>) semaphore(%arg11 : memref<!tpu.dma_semaphore, #tpu.memory_space<semaphore_mem>>)
      } else {
      }
    }
    %scan3A_110 = arith.constant 39 : i32
    %gt3A = arith.constant 78 : i32
    %gt3A_111 = arith.cmpi sgt, %add3A_13, %gt3A : i32
    %convert_element_type3A_112 = arith.extui %gt3A_111 : i1 to i32
    %cond3A_113 = arith.constant 0 : i32
    %cond3A_114 = arith.cmpi ne, %convert_element_type3A_112, %cond3A_113 : i32
    scf.if %cond3A_114 {
      %dma_wait3A_120 = arith.constant 78 : i32
      %dma_wait3A_121 = arith.constant 0 : i32
      %dma_wait3A_122 = arith.constant 0 : i32
      %dma_wait3A_123 = tpu.memref_slice %arg7[%dma_wait3A_120, %dma_wait3A_121, %dma_wait3A_122] : memref<79x2x128xi32, #tpu.memory_space<vmem>> -> memref<1x1x128xi32, #tpu.memory_space<vmem>>
      %dma_wait3A_124 = tpu.memref_squeeze %dma_wait3A_123 : memref<1x1x128xi32, #tpu.memory_space<vmem>> -> memref<128xi32, #tpu.memory_space<vmem>>
      %dma_wait3A_125 = arith.constant 0 : i32
      %dma_wait3A_126 = arith.constant 0 : i32
      %dma_wait3A_127 = tpu.memref_slice %arg6[%dma_wait3A_125, %dma_wait3A_126] : memref<10000x64xf32, #tpu.memory_space<vmem_shared>> -> memref<10000x64xf32, #tpu.memory_space<vmem_shared>>
      tpu.wait_indirect_dma semaphore(%arg10 : memref<!tpu.dma_semaphore, #tpu.memory_space<semaphore_mem>>) src(%dma_wait3A_127 : memref<10000x64xf32, #tpu.memory_space<vmem_shared>>) dst(%arg8 : memref<128x64xf32, #tpu.memory_space<vmem>>)
      %run_scoped3A = arith.constant 78 : i32
      %run_scoped3A_128 = arith.constant 1 : i32
      "tpu.region"() ({
        %run_scoped3A_129 = tpu.sem_alloc : memref<!tpu.dma_semaphore, #tpu.memory_space<semaphore_mem>>
        %dma_start3A_130 = arith.constant 0 : i32
        %dma_start3A_131 = tpu.memref_slice %arg7[%run_scoped3A, %run_scoped3A_128, %dma_start3A_130] : memref<79x2x128xi32, #tpu.memory_space<vmem>> -> memref<1x1x128xi32, #tpu.memory_space<vmem>>
        %dma_start3A_132 = tpu.memref_squeeze %dma_start3A_131 : memref<1x1x128xi32, #tpu.memory_space<vmem>> -> memref<128xi32, #tpu.memory_space<vmem>>
        %dma_start3A_133 = arith.constant 0 : i32
        %dma_start3A_134 = arith.constant 0 : i32
        %dma_start3A_135 = tpu.memref_slice %arg5[%dma_start3A_133, %dma_start3A_134] : memref<10240x64xf32, #tpu.memory_space<vmem_shared>> -> memref<10240x64xf32, #tpu.memory_space<vmem_shared>>
        tpu.enqueue_indirect_dma source(%arg8 : memref<128x64xf32, #tpu.memory_space<vmem>>) target(%dma_start3A_135 : memref<10240x64xf32, #tpu.memory_space<vmem_shared>>) offsets(%dma_start3A_132 : memref<128xi32, #tpu.memory_space<vmem>>) semaphore(%run_scoped3A_129 : memref<!tpu.dma_semaphore, #tpu.memory_space<semaphore_mem>>) {add = true}
        %dma_wait3A_136 = arith.constant 0 : i32
        %dma_wait3A_137 = tpu.memref_slice %arg7[%run_scoped3A, %run_scoped3A_128, %dma_wait3A_136] : memref<79x2x128xi32, #tpu.memory_space<vmem>> -> memref<1x1x128xi32, #tpu.memory_space<vmem>>
        %dma_wait3A_138 = tpu.memref_squeeze %dma_wait3A_137 : memref<1x1x128xi32, #tpu.memory_space<vmem>> -> memref<128xi32, #tpu.memory_space<vmem>>
        %dma_wait3A_139 = arith.constant 0 : i32
        %dma_wait3A_140 = arith.constant 0 : i32
        %dma_wait3A_141 = tpu.memref_slice %arg5[%dma_wait3A_139, %dma_wait3A_140] : memref<10240x64xf32, #tpu.memory_space<vmem_shared>> -> memref<10240x64xf32, #tpu.memory_space<vmem_shared>>
        tpu.wait_indirect_dma semaphore(%run_scoped3A_129 : memref<!tpu.dma_semaphore, #tpu.memory_space<semaphore_mem>>) src(%arg8 : memref<128x64xf32, #tpu.memory_space<vmem>>) dst(%dma_wait3A_141 : memref<10240x64xf32, #tpu.memory_space<vmem_shared>>)
        tpu.yield
      }) : () -> ()
    } else {
    }
    %barrier3A_115 = arith.constant 0 : index
    tpu.barrier barrier_id(%barrier3A_115)
    %mul3A_116 = arith.constant 640 : i32
    %mul3A_117 = arith.muli %arg1, %mul3A_116 : i32
    %mul3A_118 = arith.constant 640 : i32
    %mul3A_119 = arith.muli %arg1, %mul3A_118 : i32
    "tpu.region"() ({
      %run_scoped3A = tpu.sem_alloc : memref<!tpu.dma_semaphore, #tpu.memory_space<semaphore_mem>>
      %dma_start3A_120 = arith.constant 0 : i32
      %dma_start3A_121 = tpu.memref_slice %arg4[%arg0, %mul3A_119, %dma_start3A_120] : memref<2x10240x64xf32, #tpu.memory_space<hbm>> -> memref<1x640x64xf32, #tpu.memory_space<hbm>>
      %dma_start3A_122 = tpu.memref_squeeze %dma_start3A_121 : memref<1x640x64xf32, #tpu.memory_space<hbm>> -> memref<640x64xf32, #tpu.memory_space<hbm>>
      %dma_start3A_123 = arith.constant 0 : i32
      %dma_start3A_124 = tpu.memref_slice %arg5[%mul3A_117, %dma_start3A_123] : memref<10240x64xf32, #tpu.memory_space<vmem_shared>> -> memref<640x64xf32, #tpu.memory_space<vmem_shared>>
      tpu.enqueue_dma source(%dma_start3A_124 : memref<640x64xf32, #tpu.memory_space<vmem_shared>>) target(%dma_start3A_122 : memref<640x64xf32, #tpu.memory_space<hbm>>) target_semaphore(%run_scoped3A : memref<!tpu.dma_semaphore, #tpu.memory_space<semaphore_mem>>)
      %dma_wait3A_125 = arith.constant 0 : i32
      %dma_wait3A_126 = tpu.memref_slice %arg4[%arg0, %mul3A_119, %dma_wait3A_125] : memref<2x10240x64xf32, #tpu.memory_space<hbm>> -> memref<1x640x64xf32, #tpu.memory_space<hbm>>
      %dma_wait3A_127 = tpu.memref_squeeze %dma_wait3A_126 : memref<1x640x64xf32, #tpu.memory_space<hbm>> -> memref<640x64xf32, #tpu.memory_space<hbm>>
      %dma_wait3A_128 = arith.constant 0 : i32
      %dma_wait3A_129 = tpu.memref_slice %arg5[%mul3A_117, %dma_wait3A_128] : memref<10240x64xf32, #tpu.memory_space<vmem_shared>> -> memref<640x64xf32, #tpu.memory_space<vmem_shared>>
      tpu.wait_dma2 semaphore(%run_scoped3A : memref<!tpu.dma_semaphore, #tpu.memory_space<semaphore_mem>>) src(%dma_wait3A_129 : memref<640x64xf32, #tpu.memory_space<vmem_shared>>) dst(%dma_wait3A_127 : memref<640x64xf32, #tpu.memory_space<hbm>>)
      tpu.yield
    }) : () -> ()
    return
  }
}

#map = affine_map<(d0, d1) -> (0, 0)>
#map1 = affine_map<(d0, d1) -> (0, 0, 0)>
module attributes {stable_mosaic.version = 14 : i64} {
  func.func @_prop(%arg0: i32, %arg1: i32, %arg2: memref<10000x64xf32, #tpu.memory_space<hbm>>, %arg3: memref<2500x2x128xi32, #tpu.memory_space<hbm>>, %arg4: memref<2x10240x64xf32, #tpu.memory_space<hbm>>, %arg5: memref<10240x64xf32, #tpu.memory_space<vmem_shared>>, %arg6: memref<10000x64xf32, #tpu.memory_space<vmem_shared>>, %arg7: memref<79x2x128xi32, #tpu.memory_space<vmem>>, %arg8: memref<128x64xf32, #tpu.memory_space<vmem>>, %arg9: memref<128x64xf32, #tpu.memory_space<vmem>>, %arg10: memref<!tpu.dma_semaphore, #tpu.memory_space<semaphore_mem>>, %arg11: memref<!tpu.dma_semaphore, #tpu.memory_space<semaphore_mem>>, %arg12: memref<!tpu.dma_semaphore, #tpu.memory_space<semaphore_mem>>, %arg13: memref<!tpu.dma_semaphore, #tpu.memory_space<semaphore_mem>>) attributes {dimension_semantics = [#tpu.dimension_semantics<core_parallel>, #tpu.dimension_semantics<subcore_parallel>], iteration_bounds = array<i64: 2, 16>, scalar_prefetch = 0 : i64, scratch_operands = 9 : i64, tpu.core_type = #tpu.core_type<sc_vector_subcore>, window_params = [{transform_indices = #map}, {transform_indices = #map1}, {transform_indices = #map1}]} {
    %mul3A = arith.constant 2 : i32
    %mul3A_0 = arith.muli %arg1, %mul3A : i32
    %add3A = arith.addi %mul3A_0, %arg0 : i32
    %lt3A = arith.constant 4 : i32
    %lt3A_1 = arith.cmpi slt, %add3A, %lt3A : i32
    %mul3A_2 = arith.constant 79 : i32
    %mul3A_3 = arith.muli %add3A, %mul3A_2 : i32
    %mul3A_4 = arith.constant 78 : i32
    %mul3A_5 = arith.muli %add3A, %mul3A_4 : i32
    %add3A_6 = arith.constant 4 : i32
    %add3A_7 = arith.addi %mul3A_5, %add3A_6 : i32
    %select_n3A = arith.select %lt3A_1, %mul3A_3, %add3A_7 : i32
    %lt3A_8 = arith.constant 4 : i32
    %lt3A_9 = arith.cmpi slt, %add3A, %lt3A_8 : i32
    %jit3A = arith.constant 1 : i32
    %jit3A_10 = arith.constant 0 : i32
    %select_n3A_11 = arith.select %lt3A_9, %jit3A, %jit3A_10 : i32
    %add3A_12 = arith.constant 78 : i32
    %add3A_13 = arith.addi %add3A_12, %select_n3A_11 : i32
    %dma_start3A = arith.constant 0 : i32
    %dma_start3A_14 = arith.constant 0 : i32
    %dma_start3A_15 = arith.constant 0 : i32
    %dma_start3A_16 = tpu.memref_slice %arg7[%dma_start3A, %dma_start3A_14, %dma_start3A_15] : memref<79x2x128xi32, #tpu.memory_space<vmem>> -> memref<78x2x128xi32, #tpu.memory_space<vmem>>
    %dma_start3A_17 = arith.constant 0 : i32
    %dma_start3A_18 = arith.constant 0 : i32
    %dma_start3A_19 = tpu.memref_slice %arg3[%select_n3A, %dma_start3A_17, %dma_start3A_18] : memref<2500x2x128xi32, #tpu.memory_space<hbm>> -> memref<78x2x128xi32, #tpu.memory_space<hbm>>
    %dma_start3A_20 = arith.constant 0 : i32
    %dma_start3A_21 = arith.constant 0 : i32
    %dma_start3A_22 = arith.constant 0 : i32
    %dma_start3A_23 = tpu.memref_slice %arg7[%dma_start3A_20, %dma_start3A_21, %dma_start3A_22] : memref<79x2x128xi32, #tpu.memory_space<vmem>> -> memref<78x2x128xi32, #tpu.memory_space<vmem>>
    %dma_start3A_24 = arith.constant 0 : i32
    %dma_start3A_25 = arith.constant 0 : i32
    %dma_start3A_26 = tpu.memref_slice %arg3[%select_n3A, %dma_start3A_24, %dma_start3A_25] : memref<2500x2x128xi32, #tpu.memory_space<hbm>> -> memref<78x2x128xi32, #tpu.memory_space<hbm>>
    tpu.enqueue_dma source(%dma_start3A_26 : memref<78x2x128xi32, #tpu.memory_space<hbm>>) target(%dma_start3A_23 : memref<78x2x128xi32, #tpu.memory_space<vmem>>) target_semaphore(%arg10 : memref<!tpu.dma_semaphore, #tpu.memory_space<semaphore_mem>>)
    %lt3A_27 = arith.constant 4 : i32
    %lt3A_28 = arith.cmpi slt, %add3A, %lt3A_27 : i32
    %convert_element_type3A = arith.extui %lt3A_28 : i1 to i32
    %cond3A = arith.constant 0 : i32
    %cond3A_29 = arith.cmpi ne, %convert_element_type3A, %cond3A : i32
    scf.if %cond3A_29 {
      %add3A_120 = arith.constant 78 : i32
      %add3A_121 = arith.addi %select_n3A, %add3A_120 : i32
      %dma_start3A_122 = arith.constant 78 : i32
      %dma_start3A_123 = arith.constant 0 : i32
      %dma_start3A_124 = arith.constant 0 : i32
      %dma_start3A_125 = tpu.memref_slice %arg7[%dma_start3A_122, %dma_start3A_123, %dma_start3A_124] : memref<79x2x128xi32, #tpu.memory_space<vmem>> -> memref<1x2x128xi32, #tpu.memory_space<vmem>>
      %dma_start3A_126 = arith.constant 0 : i32
      %dma_start3A_127 = arith.constant 0 : i32
      %dma_start3A_128 = tpu.memref_slice %arg3[%add3A_121, %dma_start3A_126, %dma_start3A_127] : memref<2500x2x128xi32, #tpu.memory_space<hbm>> -> memref<1x2x128xi32, #tpu.memory_space<hbm>>
      %dma_start3A_129 = arith.constant 78 : i32
      %dma_start3A_130 = arith.constant 0 : i32
      %dma_start3A_131 = arith.constant 0 : i32
      %dma_start3A_132 = tpu.memref_slice %arg7[%dma_start3A_129, %dma_start3A_130, %dma_start3A_131] : memref<79x2x128xi32, #tpu.memory_space<vmem>> -> memref<1x2x128xi32, #tpu.memory_space<vmem>>
      %dma_start3A_133 = arith.constant 0 : i32
      %dma_start3A_134 = arith.constant 0 : i32
      %dma_start3A_135 = tpu.memref_slice %arg3[%add3A_121, %dma_start3A_133, %dma_start3A_134] : memref<2500x2x128xi32, #tpu.memory_space<hbm>> -> memref<1x2x128xi32, #tpu.memory_space<hbm>>
      tpu.enqueue_dma source(%dma_start3A_135 : memref<1x2x128xi32, #tpu.memory_space<hbm>>) target(%dma_start3A_132 : memref<1x2x128xi32, #tpu.memory_space<vmem>>) target_semaphore(%arg11 : memref<!tpu.dma_semaphore, #tpu.memory_space<semaphore_mem>>)
    } else {
    }
    %mul3A_30 = arith.constant 625 : i32
    %mul3A_31 = arith.muli %arg1, %mul3A_30 : i32
    %mul3A_32 = arith.constant 625 : i32
    %mul3A_33 = arith.muli %arg1, %mul3A_32 : i32
    %dma_start3A_34 = arith.constant 0 : i32
    %dma_start3A_35 = tpu.memref_slice %arg6[%mul3A_33, %dma_start3A_34] : memref<10000x64xf32, #tpu.memory_space<vmem_shared>> -> memref<625x64xf32, #tpu.memory_space<vmem_shared>>
    %dma_start3A_36 = arith.constant 0 : i32
    %dma_start3A_37 = tpu.memref_slice %arg2[%mul3A_31, %dma_start3A_36] : memref<10000x64xf32, #tpu.memory_space<hbm>> -> memref<625x64xf32, #tpu.memory_space<hbm>>
    tpu.enqueue_dma source(%dma_start3A_37 : memref<625x64xf32, #tpu.memory_space<hbm>>) target(%dma_start3A_35 : memref<625x64xf32, #tpu.memory_space<vmem_shared>>) target_semaphore(%arg12 : memref<!tpu.dma_semaphore, #tpu.memory_space<semaphore_mem>>)
    %scan3A = arith.constant 0 : i32
    %scan3A_38 = arith.constant 0 : i32
    %scan3A_39 = arith.constant 128 : i32
    %scan3A_40 = arith.addi %scan3A_38, %scan3A_39 : i32
    %scan3A_41 = arith.constant 1 : i32
    scf.for %scan3A_120 = %scan3A_38 to %scan3A_40 step %scan3A_41  : i32 {
      %broadcast_in_dim3A = arith.constant 0.000000e+00 : f32
      %broadcast_in_dim3A_121 = vector.broadcast %broadcast_in_dim3A : f32 to vector<16xf32>
      %swap3A = arith.index_cast %scan3A_120 : i32 to index
      %swap3A_122 = arith.constant 0 : index
      %swap3A_123 = tpu.vector_load %arg8[%swap3A, %swap3A_122] {strides = array<i32>} : memref<128x64xf32, #tpu.memory_space<vmem>>, vector<1x16xf32>,
      %swap3A_124 = vector.shape_cast %swap3A_123 : vector<1x16xf32> to vector<16xf32>
      %swap3A_125 = vector.shape_cast %broadcast_in_dim3A_121 : vector<16xf32> to vector<1x16xf32>
      tpu.vector_store %arg8[%swap3A, %swap3A_122], %swap3A_125 {strides = array<i32>} : memref<128x64xf32, #tpu.memory_space<vmem>>, vector<1x16xf32>,
      %broadcast_in_dim3A_126 = arith.constant 0.000000e+00 : f32
      %broadcast_in_dim3A_127 = vector.broadcast %broadcast_in_dim3A_126 : f32 to vector<16xf32>
      %swap3A_128 = arith.index_cast %scan3A_120 : i32 to index
      %swap3A_129 = arith.constant 16 : index
      %swap3A_130 = tpu.vector_load %arg8[%swap3A_128, %swap3A_129] {strides = array<i32>} : memref<128x64xf32, #tpu.memory_space<vmem>>, vector<1x16xf32>,
      %swap3A_131 = vector.shape_cast %swap3A_130 : vector<1x16xf32> to vector<16xf32>
      %swap3A_132 = vector.shape_cast %broadcast_in_dim3A_127 : vector<16xf32> to vector<1x16xf32>
      tpu.vector_store %arg8[%swap3A_128, %swap3A_129], %swap3A_132 {strides = array<i32>} : memref<128x64xf32, #tpu.memory_space<vmem>>, vector<1x16xf32>,
      %broadcast_in_dim3A_133 = arith.constant 0.000000e+00 : f32
      %broadcast_in_dim3A_134 = vector.broadcast %broadcast_in_dim3A_133 : f32 to vector<16xf32>
      %swap3A_135 = arith.index_cast %scan3A_120 : i32 to index
      %swap3A_136 = arith.constant 32 : index
      %swap3A_137 = tpu.vector_load %arg8[%swap3A_135, %swap3A_136] {strides = array<i32>} : memref<128x64xf32, #tpu.memory_space<vmem>>, vector<1x16xf32>,
      %swap3A_138 = vector.shape_cast %swap3A_137 : vector<1x16xf32> to vector<16xf32>
      %swap3A_139 = vector.shape_cast %broadcast_in_dim3A_134 : vector<16xf32> to vector<1x16xf32>
      tpu.vector_store %arg8[%swap3A_135, %swap3A_136], %swap3A_139 {strides = array<i32>} : memref<128x64xf32, #tpu.memory_space<vmem>>, vector<1x16xf32>,
      %broadcast_in_dim3A_140 = arith.constant 0.000000e+00 : f32
      %broadcast_in_dim3A_141 = vector.broadcast %broadcast_in_dim3A_140 : f32 to vector<16xf32>
      %swap3A_142 = arith.index_cast %scan3A_120 : i32 to index
      %swap3A_143 = arith.constant 48 : index
      %swap3A_144 = tpu.vector_load %arg8[%swap3A_142, %swap3A_143] {strides = array<i32>} : memref<128x64xf32, #tpu.memory_space<vmem>>, vector<1x16xf32>,
      %swap3A_145 = vector.shape_cast %swap3A_144 : vector<1x16xf32> to vector<16xf32>
      %swap3A_146 = vector.shape_cast %broadcast_in_dim3A_141 : vector<16xf32> to vector<1x16xf32>
      tpu.vector_store %arg8[%swap3A_142, %swap3A_143], %swap3A_146 {strides = array<i32>} : memref<128x64xf32, #tpu.memory_space<vmem>>, vector<1x16xf32>,
    }
    %scan3A_42 = arith.constant 128 : i32
    %mul3A_43 = arith.constant 640 : i32
    %mul3A_44 = arith.muli %arg1, %mul3A_43 : i32
    %add3A_45 = arith.constant 0 : i32
    %add3A_46 = arith.addi %mul3A_44, %add3A_45 : i32
    "tpu.region"() ({
      %run_scoped3A = tpu.sem_alloc : memref<!tpu.dma_semaphore, #tpu.memory_space<semaphore_mem>>
      %dma_start3A_120 = arith.constant 0 : i32
      %dma_start3A_121 = tpu.memref_slice %arg5[%add3A_46, %dma_start3A_120] : memref<10240x64xf32, #tpu.memory_space<vmem_shared>> -> memref<128x64xf32, #tpu.memory_space<vmem_shared>>
      %dma_start3A_122 = arith.constant 0 : i32
      %dma_start3A_123 = tpu.memref_slice %arg5[%add3A_46, %dma_start3A_122] : memref<10240x64xf32, #tpu.memory_space<vmem_shared>> -> memref<128x64xf32, #tpu.memory_space<vmem_shared>>
      tpu.enqueue_dma source(%arg8 : memref<128x64xf32, #tpu.memory_space<vmem>>) target(%dma_start3A_123 : memref<128x64xf32, #tpu.memory_space<vmem_shared>>) target_semaphore(%run_scoped3A : memref<!tpu.dma_semaphore, #tpu.memory_space<semaphore_mem>>)
      %dma_wait3A_124 = arith.constant 0 : i32
      %dma_wait3A_125 = tpu.memref_slice %arg5[%add3A_46, %dma_wait3A_124] : memref<10240x64xf32, #tpu.memory_space<vmem_shared>> -> memref<128x64xf32, #tpu.memory_space<vmem_shared>>
      %dma_wait3A_126 = arith.constant 0 : i32
      %dma_wait3A_127 = tpu.memref_slice %arg5[%add3A_46, %dma_wait3A_126] : memref<10240x64xf32, #tpu.memory_space<vmem_shared>> -> memref<128x64xf32, #tpu.memory_space<vmem_shared>>
      tpu.wait_dma2 semaphore(%run_scoped3A : memref<!tpu.dma_semaphore, #tpu.memory_space<semaphore_mem>>) src(%arg8 : memref<128x64xf32, #tpu.memory_space<vmem>>) dst(%dma_wait3A_127 : memref<128x64xf32, #tpu.memory_space<vmem_shared>>)
      tpu.yield
    }) : () -> ()
    %mul3A_47 = arith.constant 640 : i32
    %mul3A_48 = arith.muli %arg1, %mul3A_47 : i32
    %add3A_49 = arith.constant 128 : i32
    %add3A_50 = arith.addi %mul3A_48, %add3A_49 : i32
    "tpu.region"() ({
      %run_scoped3A = tpu.sem_alloc : memref<!tpu.dma_semaphore, #tpu.memory_space<semaphore_mem>>
      %dma_start3A_120 = arith.constant 0 : i32
      %dma_start3A_121 = tpu.memref_slice %arg5[%add3A_50, %dma_start3A_120] : memref<10240x64xf32, #tpu.memory_space<vmem_shared>> -> memref<128x64xf32, #tpu.memory_space<vmem_shared>>
      %dma_start3A_122 = arith.constant 0 : i32
      %dma_start3A_123 = tpu.memref_slice %arg5[%add3A_50, %dma_start3A_122] : memref<10240x64xf32, #tpu.memory_space<vmem_shared>> -> memref<128x64xf32, #tpu.memory_space<vmem_shared>>
      tpu.enqueue_dma source(%arg8 : memref<128x64xf32, #tpu.memory_space<vmem>>) target(%dma_start3A_123 : memref<128x64xf32, #tpu.memory_space<vmem_shared>>) target_semaphore(%run_scoped3A : memref<!tpu.dma_semaphore, #tpu.memory_space<semaphore_mem>>)
      %dma_wait3A_124 = arith.constant 0 : i32
      %dma_wait3A_125 = tpu.memref_slice %arg5[%add3A_50, %dma_wait3A_124] : memref<10240x64xf32, #tpu.memory_space<vmem_shared>> -> memref<128x64xf32, #tpu.memory_space<vmem_shared>>
      %dma_wait3A_126 = arith.constant 0 : i32
      %dma_wait3A_127 = tpu.memref_slice %arg5[%add3A_50, %dma_wait3A_126] : memref<10240x64xf32, #tpu.memory_space<vmem_shared>> -> memref<128x64xf32, #tpu.memory_space<vmem_shared>>
      tpu.wait_dma2 semaphore(%run_scoped3A : memref<!tpu.dma_semaphore, #tpu.memory_space<semaphore_mem>>) src(%arg8 : memref<128x64xf32, #tpu.memory_space<vmem>>) dst(%dma_wait3A_127 : memref<128x64xf32, #tpu.memory_space<vmem_shared>>)
      tpu.yield
    }) : () -> ()
    %mul3A_51 = arith.constant 640 : i32
    %mul3A_52 = arith.muli %arg1, %mul3A_51 : i32
    %add3A_53 = arith.constant 256 : i32
    %add3A_54 = arith.addi %mul3A_52, %add3A_53 : i32
    "tpu.region"() ({
      %run_scoped3A = tpu.sem_alloc : memref<!tpu.dma_semaphore, #tpu.memory_space<semaphore_mem>>
      %dma_start3A_120 = arith.constant 0 : i32
      %dma_start3A_121 = tpu.memref_slice %arg5[%add3A_54, %dma_start3A_120] : memref<10240x64xf32, #tpu.memory_space<vmem_shared>> -> memref<128x64xf32, #tpu.memory_space<vmem_shared>>
      %dma_start3A_122 = arith.constant 0 : i32
      %dma_start3A_123 = tpu.memref_slice %arg5[%add3A_54, %dma_start3A_122] : memref<10240x64xf32, #tpu.memory_space<vmem_shared>> -> memref<128x64xf32, #tpu.memory_space<vmem_shared>>
      tpu.enqueue_dma source(%arg8 : memref<128x64xf32, #tpu.memory_space<vmem>>) target(%dma_start3A_123 : memref<128x64xf32, #tpu.memory_space<vmem_shared>>) target_semaphore(%run_scoped3A : memref<!tpu.dma_semaphore, #tpu.memory_space<semaphore_mem>>)
      %dma_wait3A_124 = arith.constant 0 : i32
      %dma_wait3A_125 = tpu.memref_slice %arg5[%add3A_54, %dma_wait3A_124] : memref<10240x64xf32, #tpu.memory_space<vmem_shared>> -> memref<128x64xf32, #tpu.memory_space<vmem_shared>>
      %dma_wait3A_126 = arith.constant 0 : i32
      %dma_wait3A_127 = tpu.memref_slice %arg5[%add3A_54, %dma_wait3A_126] : memref<10240x64xf32, #tpu.memory_space<vmem_shared>> -> memref<128x64xf32, #tpu.memory_space<vmem_shared>>
      tpu.wait_dma2 semaphore(%run_scoped3A : memref<!tpu.dma_semaphore, #tpu.memory_space<semaphore_mem>>) src(%arg8 : memref<128x64xf32, #tpu.memory_space<vmem>>) dst(%dma_wait3A_127 : memref<128x64xf32, #tpu.memory_space<vmem_shared>>)
      tpu.yield
    }) : () -> ()
    %mul3A_55 = arith.constant 640 : i32
    %mul3A_56 = arith.muli %arg1, %mul3A_55 : i32
    %add3A_57 = arith.constant 384 : i32
    %add3A_58 = arith.addi %mul3A_56, %add3A_57 : i32
    "tpu.region"() ({
      %run_scoped3A = tpu.sem_alloc : memref<!tpu.dma_semaphore, #tpu.memory_space<semaphore_mem>>
      %dma_start3A_120 = arith.constant 0 : i32
      %dma_start3A_121 = tpu.memref_slice %arg5[%add3A_58, %dma_start3A_120] : memref<10240x64xf32, #tpu.memory_space<vmem_shared>> -> memref<128x64xf32, #tpu.memory_space<vmem_shared>>
      %dma_start3A_122 = arith.constant 0 : i32
      %dma_start3A_123 = tpu.memref_slice %arg5[%add3A_58, %dma_start3A_122] : memref<10240x64xf32, #tpu.memory_space<vmem_shared>> -> memref<128x64xf32, #tpu.memory_space<vmem_shared>>
      tpu.enqueue_dma source(%arg8 : memref<128x64xf32, #tpu.memory_space<vmem>>) target(%dma_start3A_123 : memref<128x64xf32, #tpu.memory_space<vmem_shared>>) target_semaphore(%run_scoped3A : memref<!tpu.dma_semaphore, #tpu.memory_space<semaphore_mem>>)
      %dma_wait3A_124 = arith.constant 0 : i32
      %dma_wait3A_125 = tpu.memref_slice %arg5[%add3A_58, %dma_wait3A_124] : memref<10240x64xf32, #tpu.memory_space<vmem_shared>> -> memref<128x64xf32, #tpu.memory_space<vmem_shared>>
      %dma_wait3A_126 = arith.constant 0 : i32
      %dma_wait3A_127 = tpu.memref_slice %arg5[%add3A_58, %dma_wait3A_126] : memref<10240x64xf32, #tpu.memory_space<vmem_shared>> -> memref<128x64xf32, #tpu.memory_space<vmem_shared>>
      tpu.wait_dma2 semaphore(%run_scoped3A : memref<!tpu.dma_semaphore, #tpu.memory_space<semaphore_mem>>) src(%arg8 : memref<128x64xf32, #tpu.memory_space<vmem>>) dst(%dma_wait3A_127 : memref<128x64xf32, #tpu.memory_space<vmem_shared>>)
      tpu.yield
    }) : () -> ()
    %mul3A_59 = arith.constant 640 : i32
    %mul3A_60 = arith.muli %arg1, %mul3A_59 : i32
    %add3A_61 = arith.constant 512 : i32
    %add3A_62 = arith.addi %mul3A_60, %add3A_61 : i32
    "tpu.region"() ({
      %run_scoped3A = tpu.sem_alloc : memref<!tpu.dma_semaphore, #tpu.memory_space<semaphore_mem>>
      %dma_start3A_120 = arith.constant 0 : i32
      %dma_start3A_121 = tpu.memref_slice %arg5[%add3A_62, %dma_start3A_120] : memref<10240x64xf32, #tpu.memory_space<vmem_shared>> -> memref<128x64xf32, #tpu.memory_space<vmem_shared>>
      %dma_start3A_122 = arith.constant 0 : i32
      %dma_start3A_123 = tpu.memref_slice %arg5[%add3A_62, %dma_start3A_122] : memref<10240x64xf32, #tpu.memory_space<vmem_shared>> -> memref<128x64xf32, #tpu.memory_space<vmem_shared>>
      tpu.enqueue_dma source(%arg8 : memref<128x64xf32, #tpu.memory_space<vmem>>) target(%dma_start3A_123 : memref<128x64xf32, #tpu.memory_space<vmem_shared>>) target_semaphore(%run_scoped3A : memref<!tpu.dma_semaphore, #tpu.memory_space<semaphore_mem>>)
      %dma_wait3A_124 = arith.constant 0 : i32
      %dma_wait3A_125 = tpu.memref_slice %arg5[%add3A_62, %dma_wait3A_124] : memref<10240x64xf32, #tpu.memory_space<vmem_shared>> -> memref<128x64xf32, #tpu.memory_space<vmem_shared>>
      %dma_wait3A_126 = arith.constant 0 : i32
      %dma_wait3A_127 = tpu.memref_slice %arg5[%add3A_62, %dma_wait3A_126] : memref<10240x64xf32, #tpu.memory_space<vmem_shared>> -> memref<128x64xf32, #tpu.memory_space<vmem_shared>>
      tpu.wait_dma2 semaphore(%run_scoped3A : memref<!tpu.dma_semaphore, #tpu.memory_space<semaphore_mem>>) src(%arg8 : memref<128x64xf32, #tpu.memory_space<vmem>>) dst(%dma_wait3A_127 : memref<128x64xf32, #tpu.memory_space<vmem_shared>>)
      tpu.yield
    }) : () -> ()
    %dma_wait3A = arith.constant 0 : i32
    %dma_wait3A_63 = arith.constant 0 : i32
    %dma_wait3A_64 = arith.constant 0 : i32
    %dma_wait3A_65 = tpu.memref_slice %arg7[%dma_wait3A, %dma_wait3A_63, %dma_wait3A_64] : memref<79x2x128xi32, #tpu.memory_space<vmem>> -> memref<78x2x128xi32, #tpu.memory_space<vmem>>
    %dma_wait3A_66 = arith.constant 0 : i32
    %dma_wait3A_67 = arith.constant 0 : i32
    %dma_wait3A_68 = tpu.memref_slice %arg3[%select_n3A, %dma_wait3A_66, %dma_wait3A_67] : memref<2500x2x128xi32, #tpu.memory_space<hbm>> -> memref<78x2x128xi32, #tpu.memory_space<hbm>>
    %dma_wait3A_69 = arith.constant 0 : i32
    %dma_wait3A_70 = arith.constant 0 : i32
    %dma_wait3A_71 = arith.constant 0 : i32
    %dma_wait3A_72 = tpu.memref_slice %arg7[%dma_wait3A_69, %dma_wait3A_70, %dma_wait3A_71] : memref<79x2x128xi32, #tpu.memory_space<vmem>> -> memref<78x2x128xi32, #tpu.memory_space<vmem>>
    %dma_wait3A_73 = arith.constant 0 : i32
    %dma_wait3A_74 = arith.constant 0 : i32
    %dma_wait3A_75 = tpu.memref_slice %arg3[%select_n3A, %dma_wait3A_73, %dma_wait3A_74] : memref<2500x2x128xi32, #tpu.memory_space<hbm>> -> memref<78x2x128xi32, #tpu.memory_space<hbm>>
    tpu.wait_dma2 semaphore(%arg10 : memref<!tpu.dma_semaphore, #tpu.memory_space<semaphore_mem>>) src(%dma_wait3A_75 : memref<78x2x128xi32, #tpu.memory_space<hbm>>) dst(%dma_wait3A_72 : memref<78x2x128xi32, #tpu.memory_space<vmem>>)
    %lt3A_76 = arith.constant 4 : i32
    %lt3A_77 = arith.cmpi slt, %add3A, %lt3A_76 : i32
    %convert_element_type3A_78 = arith.extui %lt3A_77 : i1 to i32
    %cond3A_79 = arith.constant 0 : i32
    %cond3A_80 = arith.cmpi ne, %convert_element_type3A_78, %cond3A_79 : i32
    scf.if %cond3A_80 {
      %add3A_120 = arith.constant 78 : i32
      %add3A_121 = arith.addi %select_n3A, %add3A_120 : i32
      %dma_wait3A_122 = arith.constant 78 : i32
      %dma_wait3A_123 = arith.constant 0 : i32
      %dma_wait3A_124 = arith.constant 0 : i32
      %dma_wait3A_125 = tpu.memref_slice %arg7[%dma_wait3A_122, %dma_wait3A_123, %dma_wait3A_124] : memref<79x2x128xi32, #tpu.memory_space<vmem>> -> memref<1x2x128xi32, #tpu.memory_space<vmem>>
      %dma_wait3A_126 = arith.constant 0 : i32
      %dma_wait3A_127 = arith.constant 0 : i32
      %dma_wait3A_128 = tpu.memref_slice %arg3[%add3A_121, %dma_wait3A_126, %dma_wait3A_127] : memref<2500x2x128xi32, #tpu.memory_space<hbm>> -> memref<1x2x128xi32, #tpu.memory_space<hbm>>
      %dma_wait3A_129 = arith.constant 78 : i32
      %dma_wait3A_130 = arith.constant 0 : i32
      %dma_wait3A_131 = arith.constant 0 : i32
      %dma_wait3A_132 = tpu.memref_slice %arg7[%dma_wait3A_129, %dma_wait3A_130, %dma_wait3A_131] : memref<79x2x128xi32, #tpu.memory_space<vmem>> -> memref<1x2x128xi32, #tpu.memory_space<vmem>>
      %dma_wait3A_133 = arith.constant 0 : i32
      %dma_wait3A_134 = arith.constant 0 : i32
      %dma_wait3A_135 = tpu.memref_slice %arg3[%add3A_121, %dma_wait3A_133, %dma_wait3A_134] : memref<2500x2x128xi32, #tpu.memory_space<hbm>> -> memref<1x2x128xi32, #tpu.memory_space<hbm>>
      tpu.wait_dma2 semaphore(%arg11 : memref<!tpu.dma_semaphore, #tpu.memory_space<semaphore_mem>>) src(%dma_wait3A_135 : memref<1x2x128xi32, #tpu.memory_space<hbm>>) dst(%dma_wait3A_132 : memref<1x2x128xi32, #tpu.memory_space<vmem>>)
    } else {
    }
    %mul3A_81 = arith.constant 625 : i32
    %mul3A_82 = arith.muli %arg1, %mul3A_81 : i32
    %mul3A_83 = arith.constant 625 : i32
    %mul3A_84 = arith.muli %arg1, %mul3A_83 : i32
    %dma_wait3A_85 = arith.constant 0 : i32
    %dma_wait3A_86 = tpu.memref_slice %arg6[%mul3A_84, %dma_wait3A_85] : memref<10000x64xf32, #tpu.memory_space<vmem_shared>> -> memref<625x64xf32, #tpu.memory_space<vmem_shared>>
    %dma_wait3A_87 = arith.constant 0 : i32
    %dma_wait3A_88 = tpu.memref_slice %arg2[%mul3A_82, %dma_wait3A_87] : memref<10000x64xf32, #tpu.memory_space<hbm>> -> memref<625x64xf32, #tpu.memory_space<hbm>>
    tpu.wait_dma2 semaphore(%arg12 : memref<!tpu.dma_semaphore, #tpu.memory_space<semaphore_mem>>) src(%dma_wait3A_88 : memref<625x64xf32, #tpu.memory_space<hbm>>) dst(%dma_wait3A_86 : memref<625x64xf32, #tpu.memory_space<vmem_shared>>)
    %barrier3A = arith.constant 0 : index
    tpu.barrier barrier_id(%barrier3A)
    %dma_start3A_89 = arith.constant 0 : i32
    %dma_start3A_90 = arith.constant 0 : i32
    %dma_start3A_91 = arith.constant 0 : i32
    %dma_start3A_92 = tpu.memref_slice %arg7[%dma_start3A_89, %dma_start3A_90, %dma_start3A_91] : memref<79x2x128xi32, #tpu.memory_space<vmem>> -> memref<1x1x128xi32, #tpu.memory_space<vmem>>
    %dma_start3A_93 = tpu.memref_squeeze %dma_start3A_92 : memref<1x1x128xi32, #tpu.memory_space<vmem>> -> memref<128xi32, #tpu.memory_space<vmem>>
    %dma_start3A_94 = arith.constant 0 : i32
    %dma_start3A_95 = arith.constant 0 : i32
    %dma_start3A_96 = tpu.memref_slice %arg6[%dma_start3A_94, %dma_start3A_95] : memref<10000x64xf32, #tpu.memory_space<vmem_shared>> -> memref<10000x64xf32, #tpu.memory_space<vmem_shared>>
    tpu.enqueue_indirect_dma source(%dma_start3A_96 : memref<10000x64xf32, #tpu.memory_space<vmem_shared>>) target(%arg8 : memref<128x64xf32, #tpu.memory_space<vmem>>) offsets(%dma_start3A_93 : memref<128xi32, #tpu.memory_space<vmem>>) semaphore(%arg10 : memref<!tpu.dma_semaphore, #tpu.memory_space<semaphore_mem>>)
    %dma_start3A_97 = arith.constant 1 : i32
    %dma_start3A_98 = arith.constant 0 : i32
    %dma_start3A_99 = arith.constant 0 : i32
    %dma_start3A_100 = tpu.memref_slice %arg7[%dma_start3A_97, %dma_start3A_98, %dma_start3A_99] : memref<79x2x128xi32, #tpu.memory_space<vmem>> -> memref<1x1x128xi32, #tpu.memory_space<vmem>>
    %dma_start3A_101 = tpu.memref_squeeze %dma_start3A_100 : memref<1x1x128xi32, #tpu.memory_space<vmem>> -> memref<128xi32, #tpu.memory_space<vmem>>
    %dma_start3A_102 = arith.constant 0 : i32
    %dma_start3A_103 = arith.constant 0 : i32
    %dma_start3A_104 = tpu.memref_slice %arg6[%dma_start3A_102, %dma_start3A_103] : memref<10000x64xf32, #tpu.memory_space<vmem_shared>> -> memref<10000x64xf32, #tpu.memory_space<vmem_shared>>
    tpu.enqueue_indirect_dma source(%dma_start3A_104 : memref<10000x64xf32, #tpu.memory_space<vmem_shared>>) target(%arg9 : memref<128x64xf32, #tpu.memory_space<vmem>>) offsets(%dma_start3A_101 : memref<128xi32, #tpu.memory_space<vmem>>) semaphore(%arg11 : memref<!tpu.dma_semaphore, #tpu.memory_space<semaphore_mem>>)
    %scan3A_105 = arith.constant 0 : i32
    %scan3A_106 = arith.constant 0 : i32
    %scan3A_107 = arith.constant 39 : i32
    %scan3A_108 = arith.addi %scan3A_106, %scan3A_107 : i32
    %scan3A_109 = arith.constant 1 : i32
    scf.for %scan3A_120 = %scan3A_106 to %scan3A_108 step %scan3A_109  : i32 {
      %mul3A_121 = arith.constant 2 : i32
      %mul3A_122 = arith.muli %scan3A_120, %mul3A_121 : i32
      %add3A_123 = arith.constant 0 : i32
      %add3A_124 = arith.addi %mul3A_122, %add3A_123 : i32
      %dma_wait3A_125 = arith.constant 0 : i32
      %dma_wait3A_126 = arith.constant 0 : i32
      %dma_wait3A_127 = tpu.memref_slice %arg7[%add3A_124, %dma_wait3A_125, %dma_wait3A_126] : memref<79x2x128xi32, #tpu.memory_space<vmem>> -> memref<1x1x128xi32, #tpu.memory_space<vmem>>
      %dma_wait3A_128 = tpu.memref_squeeze %dma_wait3A_127 : memref<1x1x128xi32, #tpu.memory_space<vmem>> -> memref<128xi32, #tpu.memory_space<vmem>>
      %dma_wait3A_129 = arith.constant 0 : i32
      %dma_wait3A_130 = arith.constant 0 : i32
      %dma_wait3A_131 = tpu.memref_slice %arg6[%dma_wait3A_129, %dma_wait3A_130] : memref<10000x64xf32, #tpu.memory_space<vmem_shared>> -> memref<10000x64xf32, #tpu.memory_space<vmem_shared>>
      tpu.wait_indirect_dma semaphore(%arg10 : memref<!tpu.dma_semaphore, #tpu.memory_space<semaphore_mem>>) src(%dma_wait3A_131 : memref<10000x64xf32, #tpu.memory_space<vmem_shared>>) dst(%arg8 : memref<128x64xf32, #tpu.memory_space<vmem>>)
      %add3A_132 = arith.constant 0 : i32
      %add3A_133 = arith.addi %mul3A_122, %add3A_132 : i32
      %dma_start3A_134 = arith.constant 1 : i32
      %dma_start3A_135 = arith.constant 0 : i32
      %dma_start3A_136 = tpu.memref_slice %arg7[%add3A_133, %dma_start3A_134, %dma_start3A_135] : memref<79x2x128xi32, #tpu.memory_space<vmem>> -> memref<1x1x128xi32, #tpu.memory_space<vmem>>
      %dma_start3A_137 = tpu.memref_squeeze %dma_start3A_136 : memref<1x1x128xi32, #tpu.memory_space<vmem>> -> memref<128xi32, #tpu.memory_space<vmem>>
      %dma_start3A_138 = arith.constant 0 : i32
      %dma_start3A_139 = arith.constant 0 : i32
      %dma_start3A_140 = tpu.memref_slice %arg5[%dma_start3A_138, %dma_start3A_139] : memref<10240x64xf32, #tpu.memory_space<vmem_shared>> -> memref<10240x64xf32, #tpu.memory_space<vmem_shared>>
      tpu.enqueue_indirect_dma source(%arg8 : memref<128x64xf32, #tpu.memory_space<vmem>>) target(%dma_start3A_140 : memref<10240x64xf32, #tpu.memory_space<vmem_shared>>) offsets(%dma_start3A_137 : memref<128xi32, #tpu.memory_space<vmem>>) semaphore(%arg12 : memref<!tpu.dma_semaphore, #tpu.memory_space<semaphore_mem>>) {add = true}
      %add3A_141 = arith.constant 1 : i32
      %add3A_142 = arith.addi %mul3A_122, %add3A_141 : i32
      %dma_wait3A_143 = arith.constant 0 : i32
      %dma_wait3A_144 = arith.constant 0 : i32
      %dma_wait3A_145 = tpu.memref_slice %arg7[%add3A_142, %dma_wait3A_143, %dma_wait3A_144] : memref<79x2x128xi32, #tpu.memory_space<vmem>> -> memref<1x1x128xi32, #tpu.memory_space<vmem>>
      %dma_wait3A_146 = tpu.memref_squeeze %dma_wait3A_145 : memref<1x1x128xi32, #tpu.memory_space<vmem>> -> memref<128xi32, #tpu.memory_space<vmem>>
      %dma_wait3A_147 = arith.constant 0 : i32
      %dma_wait3A_148 = arith.constant 0 : i32
      %dma_wait3A_149 = tpu.memref_slice %arg6[%dma_wait3A_147, %dma_wait3A_148] : memref<10000x64xf32, #tpu.memory_space<vmem_shared>> -> memref<10000x64xf32, #tpu.memory_space<vmem_shared>>
      tpu.wait_indirect_dma semaphore(%arg11 : memref<!tpu.dma_semaphore, #tpu.memory_space<semaphore_mem>>) src(%dma_wait3A_149 : memref<10000x64xf32, #tpu.memory_space<vmem_shared>>) dst(%arg9 : memref<128x64xf32, #tpu.memory_space<vmem>>)
      %add3A_150 = arith.constant 1 : i32
      %add3A_151 = arith.addi %mul3A_122, %add3A_150 : i32
      %dma_start3A_152 = arith.constant 1 : i32
      %dma_start3A_153 = arith.constant 0 : i32
      %dma_start3A_154 = tpu.memref_slice %arg7[%add3A_151, %dma_start3A_152, %dma_start3A_153] : memref<79x2x128xi32, #tpu.memory_space<vmem>> -> memref<1x1x128xi32, #tpu.memory_space<vmem>>
      %dma_start3A_155 = tpu.memref_squeeze %dma_start3A_154 : memref<1x1x128xi32, #tpu.memory_space<vmem>> -> memref<128xi32, #tpu.memory_space<vmem>>
      %dma_start3A_156 = arith.constant 0 : i32
      %dma_start3A_157 = arith.constant 0 : i32
      %dma_start3A_158 = tpu.memref_slice %arg5[%dma_start3A_156, %dma_start3A_157] : memref<10240x64xf32, #tpu.memory_space<vmem_shared>> -> memref<10240x64xf32, #tpu.memory_space<vmem_shared>>
      tpu.enqueue_indirect_dma source(%arg9 : memref<128x64xf32, #tpu.memory_space<vmem>>) target(%dma_start3A_158 : memref<10240x64xf32, #tpu.memory_space<vmem_shared>>) offsets(%dma_start3A_155 : memref<128xi32, #tpu.memory_space<vmem>>) semaphore(%arg13 : memref<!tpu.dma_semaphore, #tpu.memory_space<semaphore_mem>>) {add = true}
      %dma_wait3A_159 = arith.constant 1 : i32
      %dma_wait3A_160 = arith.constant 0 : i32
      %dma_wait3A_161 = tpu.memref_slice %arg7[%mul3A_122, %dma_wait3A_159, %dma_wait3A_160] : memref<79x2x128xi32, #tpu.memory_space<vmem>> -> memref<1x1x128xi32, #tpu.memory_space<vmem>>
      %dma_wait3A_162 = tpu.memref_squeeze %dma_wait3A_161 : memref<1x1x128xi32, #tpu.memory_space<vmem>> -> memref<128xi32, #tpu.memory_space<vmem>>
      %dma_wait3A_163 = arith.constant 0 : i32
      %dma_wait3A_164 = arith.constant 0 : i32
      %dma_wait3A_165 = tpu.memref_slice %arg5[%dma_wait3A_163, %dma_wait3A_164] : memref<10240x64xf32, #tpu.memory_space<vmem_shared>> -> memref<10240x64xf32, #tpu.memory_space<vmem_shared>>
      tpu.wait_indirect_dma semaphore(%arg12 : memref<!tpu.dma_semaphore, #tpu.memory_space<semaphore_mem>>) src(%arg8 : memref<128x64xf32, #tpu.memory_space<vmem>>) dst(%dma_wait3A_165 : memref<10240x64xf32, #tpu.memory_space<vmem_shared>>)
      %add3A_166 = arith.constant 2 : i32
      %add3A_167 = arith.addi %mul3A_122, %add3A_166 : i32
      %lt3A_168 = arith.cmpi slt, %add3A_167, %add3A_13 : i32
      %convert_element_type3A_169 = arith.extui %lt3A_168 : i1 to i32
      %cond3A_170 = arith.constant 0 : i32
      %cond3A_171 = arith.cmpi ne, %convert_element_type3A_169, %cond3A_170 : i32
      scf.if %cond3A_171 {
        %add3A_187 = arith.constant 2 : i32
        %add3A_188 = arith.addi %mul3A_122, %add3A_187 : i32
        %dma_start3A_189 = arith.constant 0 : i32
        %dma_start3A_190 = arith.constant 0 : i32
        %dma_start3A_191 = tpu.memref_slice %arg7[%add3A_188, %dma_start3A_189, %dma_start3A_190] : memref<79x2x128xi32, #tpu.memory_space<vmem>> -> memref<1x1x128xi32, #tpu.memory_space<vmem>>
        %dma_start3A_192 = tpu.memref_squeeze %dma_start3A_191 : memref<1x1x128xi32, #tpu.memory_space<vmem>> -> memref<128xi32, #tpu.memory_space<vmem>>
        %dma_start3A_193 = arith.constant 0 : i32
        %dma_start3A_194 = arith.constant 0 : i32
        %dma_start3A_195 = tpu.memref_slice %arg6[%dma_start3A_193, %dma_start3A_194] : memref<10000x64xf32, #tpu.memory_space<vmem_shared>> -> memref<10000x64xf32, #tpu.memory_space<vmem_shared>>
        tpu.enqueue_indirect_dma source(%dma_start3A_195 : memref<10000x64xf32, #tpu.memory_space<vmem_shared>>) target(%arg8 : memref<128x64xf32, #tpu.memory_space<vmem>>) offsets(%dma_start3A_192 : memref<128xi32, #tpu.memory_space<vmem>>) semaphore(%arg10 : memref<!tpu.dma_semaphore, #tpu.memory_space<semaphore_mem>>)
      } else {
      }
      %add3A_172 = arith.constant 1 : i32
      %add3A_173 = arith.addi %mul3A_122, %add3A_172 : i32
      %dma_wait3A_174 = arith.constant 1 : i32
      %dma_wait3A_175 = arith.constant 0 : i32
      %dma_wait3A_176 = tpu.memref_slice %arg7[%add3A_173, %dma_wait3A_174, %dma_wait3A_175] : memref<79x2x128xi32, #tpu.memory_space<vmem>> -> memref<1x1x128xi32, #tpu.memory_space<vmem>>
      %dma_wait3A_177 = tpu.memref_squeeze %dma_wait3A_176 : memref<1x1x128xi32, #tpu.memory_space<vmem>> -> memref<128xi32, #tpu.memory_space<vmem>>
      %dma_wait3A_178 = arith.constant 0 : i32
      %dma_wait3A_179 = arith.constant 0 : i32
      %dma_wait3A_180 = tpu.memref_slice %arg5[%dma_wait3A_178, %dma_wait3A_179] : memref<10240x64xf32, #tpu.memory_space<vmem_shared>> -> memref<10240x64xf32, #tpu.memory_space<vmem_shared>>
      tpu.wait_indirect_dma semaphore(%arg13 : memref<!tpu.dma_semaphore, #tpu.memory_space<semaphore_mem>>) src(%arg9 : memref<128x64xf32, #tpu.memory_space<vmem>>) dst(%dma_wait3A_180 : memref<10240x64xf32, #tpu.memory_space<vmem_shared>>)
      %add3A_181 = arith.constant 3 : i32
      %add3A_182 = arith.addi %mul3A_122, %add3A_181 : i32
      %lt3A_183 = arith.cmpi slt, %add3A_182, %add3A_13 : i32
      %convert_element_type3A_184 = arith.extui %lt3A_183 : i1 to i32
      %cond3A_185 = arith.constant 0 : i32
      %cond3A_186 = arith.cmpi ne, %convert_element_type3A_184, %cond3A_185 : i32
      scf.if %cond3A_186 {
        %add3A_187 = arith.constant 3 : i32
        %add3A_188 = arith.addi %mul3A_122, %add3A_187 : i32
        %dma_start3A_189 = arith.constant 0 : i32
        %dma_start3A_190 = arith.constant 0 : i32
        %dma_start3A_191 = tpu.memref_slice %arg7[%add3A_188, %dma_start3A_189, %dma_start3A_190] : memref<79x2x128xi32, #tpu.memory_space<vmem>> -> memref<1x1x128xi32, #tpu.memory_space<vmem>>
        %dma_start3A_192 = tpu.memref_squeeze %dma_start3A_191 : memref<1x1x128xi32, #tpu.memory_space<vmem>> -> memref<128xi32, #tpu.memory_space<vmem>>
        %dma_start3A_193 = arith.constant 0 : i32
        %dma_start3A_194 = arith.constant 0 : i32
        %dma_start3A_195 = tpu.memref_slice %arg6[%dma_start3A_193, %dma_start3A_194] : memref<10000x64xf32, #tpu.memory_space<vmem_shared>> -> memref<10000x64xf32, #tpu.memory_space<vmem_shared>>
        tpu.enqueue_indirect_dma source(%dma_start3A_195 : memref<10000x64xf32, #tpu.memory_space<vmem_shared>>) target(%arg9 : memref<128x64xf32, #tpu.memory_space<vmem>>) offsets(%dma_start3A_192 : memref<128xi32, #tpu.memory_space<vmem>>) semaphore(%arg11 : memref<!tpu.dma_semaphore, #tpu.memory_space<semaphore_mem>>)
      } else {
      }
    }
    %scan3A_110 = arith.constant 39 : i32
    %gt3A = arith.constant 78 : i32
    %gt3A_111 = arith.cmpi sgt, %add3A_13, %gt3A : i32
    %convert_element_type3A_112 = arith.extui %gt3A_111 : i1 to i32
    %cond3A_113 = arith.constant 0 : i32
    %cond3A_114 = arith.cmpi ne, %convert_element_type3A_112, %cond3A_113 : i32
    scf.if %cond3A_114 {
      %dma_wait3A_120 = arith.constant 78 : i32
      %dma_wait3A_121 = arith.constant 0 : i32
      %dma_wait3A_122 = arith.constant 0 : i32
      %dma_wait3A_123 = tpu.memref_slice %arg7[%dma_wait3A_120, %dma_wait3A_121, %dma_wait3A_122] : memref<79x2x128xi32, #tpu.memory_space<vmem>> -> memref<1x1x128xi32, #tpu.memory_space<vmem>>
      %dma_wait3A_124 = tpu.memref_squeeze %dma_wait3A_123 : memref<1x1x128xi32, #tpu.memory_space<vmem>> -> memref<128xi32, #tpu.memory_space<vmem>>
      %dma_wait3A_125 = arith.constant 0 : i32
      %dma_wait3A_126 = arith.constant 0 : i32
      %dma_wait3A_127 = tpu.memref_slice %arg6[%dma_wait3A_125, %dma_wait3A_126] : memref<10000x64xf32, #tpu.memory_space<vmem_shared>> -> memref<10000x64xf32, #tpu.memory_space<vmem_shared>>
      tpu.wait_indirect_dma semaphore(%arg10 : memref<!tpu.dma_semaphore, #tpu.memory_space<semaphore_mem>>) src(%dma_wait3A_127 : memref<10000x64xf32, #tpu.memory_space<vmem_shared>>) dst(%arg8 : memref<128x64xf32, #tpu.memory_space<vmem>>)
      %run_scoped3A = arith.constant 78 : i32
      %run_scoped3A_128 = arith.constant 1 : i32
      "tpu.region"() ({
        %run_scoped3A_129 = tpu.sem_alloc : memref<!tpu.dma_semaphore, #tpu.memory_space<semaphore_mem>>
        %dma_start3A_130 = arith.constant 0 : i32
        %dma_start3A_131 = tpu.memref_slice %arg7[%run_scoped3A, %run_scoped3A_128, %dma_start3A_130] : memref<79x2x128xi32, #tpu.memory_space<vmem>> -> memref<1x1x128xi32, #tpu.memory_space<vmem>>
        %dma_start3A_132 = tpu.memref_squeeze %dma_start3A_131 : memref<1x1x128xi32, #tpu.memory_space<vmem>> -> memref<128xi32, #tpu.memory_space<vmem>>
        %dma_start3A_133 = arith.constant 0 : i32
        %dma_start3A_134 = arith.constant 0 : i32
        %dma_start3A_135 = tpu.memref_slice %arg5[%dma_start3A_133, %dma_start3A_134] : memref<10240x64xf32, #tpu.memory_space<vmem_shared>> -> memref<10240x64xf32, #tpu.memory_space<vmem_shared>>
        tpu.enqueue_indirect_dma source(%arg8 : memref<128x64xf32, #tpu.memory_space<vmem>>) target(%dma_start3A_135 : memref<10240x64xf32, #tpu.memory_space<vmem_shared>>) offsets(%dma_start3A_132 : memref<128xi32, #tpu.memory_space<vmem>>) semaphore(%run_scoped3A_129 : memref<!tpu.dma_semaphore, #tpu.memory_space<semaphore_mem>>) {add = true}
        %dma_wait3A_136 = arith.constant 0 : i32
        %dma_wait3A_137 = tpu.memref_slice %arg7[%run_scoped3A, %run_scoped3A_128, %dma_wait3A_136] : memref<79x2x128xi32, #tpu.memory_space<vmem>> -> memref<1x1x128xi32, #tpu.memory_space<vmem>>
        %dma_wait3A_138 = tpu.memref_squeeze %dma_wait3A_137 : memref<1x1x128xi32, #tpu.memory_space<vmem>> -> memref<128xi32, #tpu.memory_space<vmem>>
        %dma_wait3A_139 = arith.constant 0 : i32
        %dma_wait3A_140 = arith.constant 0 : i32
        %dma_wait3A_141 = tpu.memref_slice %arg5[%dma_wait3A_139, %dma_wait3A_140] : memref<10240x64xf32, #tpu.memory_space<vmem_shared>> -> memref<10240x64xf32, #tpu.memory_space<vmem_shared>>
        tpu.wait_indirect_dma semaphore(%run_scoped3A_129 : memref<!tpu.dma_semaphore, #tpu.memory_space<semaphore_mem>>) src(%arg8 : memref<128x64xf32, #tpu.memory_space<vmem>>) dst(%dma_wait3A_141 : memref<10240x64xf32, #tpu.memory_space<vmem_shared>>)
        tpu.yield
      }) : () -> ()
    } else {
    }
    %barrier3A_115 = arith.constant 0 : index
    tpu.barrier barrier_id(%barrier3A_115)
    %mul3A_116 = arith.constant 640 : i32
    %mul3A_117 = arith.muli %arg1, %mul3A_116 : i32
    %mul3A_118 = arith.constant 640 : i32
    %mul3A_119 = arith.muli %arg1, %mul3A_118 : i32
    "tpu.region"() ({
      %run_scoped3A = tpu.sem_alloc : memref<!tpu.dma_semaphore, #tpu.memory_space<semaphore_mem>>
      %dma_start3A_120 = arith.constant 0 : i32
      %dma_start3A_121 = tpu.memref_slice %arg4[%arg0, %mul3A_119, %dma_start3A_120] : memref<2x10240x64xf32, #tpu.memory_space<hbm>> -> memref<1x640x64xf32, #tpu.memory_space<hbm>>
      %dma_start3A_122 = tpu.memref_squeeze %dma_start3A_121 : memref<1x640x64xf32, #tpu.memory_space<hbm>> -> memref<640x64xf32, #tpu.memory_space<hbm>>
      %dma_start3A_123 = arith.constant 0 : i32
      %dma_start3A_124 = tpu.memref_slice %arg5[%mul3A_117, %dma_start3A_123] : memref<10240x64xf32, #tpu.memory_space<vmem_shared>> -> memref<640x64xf32, #tpu.memory_space<vmem_shared>>
      tpu.enqueue_dma source(%dma_start3A_124 : memref<640x64xf32, #tpu.memory_space<vmem_shared>>) target(%dma_start3A_122 : memref<640x64xf32, #tpu.memory_space<hbm>>) target_semaphore(%run_scoped3A : memref<!tpu.dma_semaphore, #tpu.memory_space<semaphore_mem>>)
      %dma_wait3A_125 = arith.constant 0 : i32
      %dma_wait3A_126 = tpu.memref_slice %arg4[%arg0, %mul3A_119, %dma_wait3A_125] : memref<2x10240x64xf32, #tpu.memory_space<hbm>> -> memref<1x640x64xf32, #tpu.memory_space<hbm>>
      %dma_wait3A_127 = tpu.memref_squeeze %dma_wait3A_126 : memref<1x640x64xf32, #tpu.memory_space<hbm>> -> memref<640x64xf32, #tpu.memory_space<hbm>>
      %dma_wait3A_128 = arith.constant 0 : i32
      %dma_wait3A_129 = tpu.memref_slice %arg5[%mul3A_117, %dma_wait3A_128] : memref<10240x64xf32, #tpu.memory_space<vmem_shared>> -> memref<640x64xf32, #tpu.memory_space<vmem_shared>>
      tpu.wait_dma2 semaphore(%run_scoped3A : memref<!tpu.dma_semaphore, #tpu.memory_space<semaphore_mem>>) src(%dma_wait3A_129 : memref<640x64xf32, #tpu.memory_space<vmem_shared>>) dst(%dma_wait3A_127 : memref<640x64xf32, #tpu.memory_space<hbm>>)
      tpu.yield
    }) : () -> ()
    return
  }
}

#map = affine_map<(d0, d1) -> (0, 0, 0)>
#map1 = affine_map<(d0, d1) -> (0, 0)>
module attributes {stable_mosaic.version = 14 : i64} {
  func.func @_deg(%arg0: i32, %arg1: i32, %arg2: memref<2500x2x128xi32, #tpu.memory_space<hbm>>, %arg3: memref<2x10240xf32, #tpu.memory_space<hbm>>, %arg4: memref<10240xf32, #tpu.memory_space<vmem_shared>>, %arg5: memref<79x2x128xi32, #tpu.memory_space<vmem>>, %arg6: memref<128xf32, #tpu.memory_space<vmem>>, %arg7: memref<640xf32, #tpu.memory_space<vmem>>) attributes {dimension_semantics = [#tpu.dimension_semantics<core_parallel>, #tpu.dimension_semantics<subcore_parallel>], iteration_bounds = array<i64: 2, 16>, scalar_prefetch = 0 : i64, scratch_operands = 4 : i64, tpu.core_type = #tpu.core_type<sc_vector_subcore>, window_params = [{transform_indices = #map}, {transform_indices = #map1}]} {
    %mul3A = arith.constant 2 : i32
    %mul3A_0 = arith.muli %arg1, %mul3A : i32
    %add3A = arith.addi %mul3A_0, %arg0 : i32
    %lt3A = arith.constant 4 : i32
    %lt3A_1 = arith.cmpi slt, %add3A, %lt3A : i32
    %mul3A_2 = arith.constant 79 : i32
    %mul3A_3 = arith.muli %add3A, %mul3A_2 : i32
    %mul3A_4 = arith.constant 78 : i32
    %mul3A_5 = arith.muli %add3A, %mul3A_4 : i32
    %add3A_6 = arith.constant 4 : i32
    %add3A_7 = arith.addi %mul3A_5, %add3A_6 : i32
    %select_n3A = arith.select %lt3A_1, %mul3A_3, %add3A_7 : i32
    %lt3A_8 = arith.constant 4 : i32
    %lt3A_9 = arith.cmpi slt, %add3A, %lt3A_8 : i32
    %jit3A = arith.constant 1 : i32
    %jit3A_10 = arith.constant 0 : i32
    %select_n3A_11 = arith.select %lt3A_9, %jit3A, %jit3A_10 : i32
    %add3A_12 = arith.constant 78 : i32
    %add3A_13 = arith.addi %add3A_12, %select_n3A_11 : i32
    "tpu.region"() ({
      %run_scoped3A = tpu.sem_alloc : memref<!tpu.dma_semaphore, #tpu.memory_space<semaphore_mem>>
      %dma_start3A = arith.constant 0 : i32
      %dma_start3A_84 = arith.constant 0 : i32
      %dma_start3A_85 = arith.constant 0 : i32
      %dma_start3A_86 = tpu.memref_slice %arg5[%dma_start3A, %dma_start3A_84, %dma_start3A_85] : memref<79x2x128xi32, #tpu.memory_space<vmem>> -> memref<78x2x128xi32, #tpu.memory_space<vmem>>
      %dma_start3A_87 = arith.constant 0 : i32
      %dma_start3A_88 = arith.constant 0 : i32
      %dma_start3A_89 = tpu.memref_slice %arg2[%select_n3A, %dma_start3A_87, %dma_start3A_88] : memref<2500x2x128xi32, #tpu.memory_space<hbm>> -> memref<78x2x128xi32, #tpu.memory_space<hbm>>
      %dma_start3A_90 = arith.constant 0 : i32
      %dma_start3A_91 = arith.constant 0 : i32
      %dma_start3A_92 = arith.constant 0 : i32
      %dma_start3A_93 = tpu.memref_slice %arg5[%dma_start3A_90, %dma_start3A_91, %dma_start3A_92] : memref<79x2x128xi32, #tpu.memory_space<vmem>> -> memref<78x2x128xi32, #tpu.memory_space<vmem>>
      %dma_start3A_94 = arith.constant 0 : i32
      %dma_start3A_95 = arith.constant 0 : i32
      %dma_start3A_96 = tpu.memref_slice %arg2[%select_n3A, %dma_start3A_94, %dma_start3A_95] : memref<2500x2x128xi32, #tpu.memory_space<hbm>> -> memref<78x2x128xi32, #tpu.memory_space<hbm>>
      tpu.enqueue_dma source(%dma_start3A_96 : memref<78x2x128xi32, #tpu.memory_space<hbm>>) target(%dma_start3A_93 : memref<78x2x128xi32, #tpu.memory_space<vmem>>) target_semaphore(%run_scoped3A : memref<!tpu.dma_semaphore, #tpu.memory_space<semaphore_mem>>)
      %dma_wait3A = arith.constant 0 : i32
      %dma_wait3A_97 = arith.constant 0 : i32
      %dma_wait3A_98 = arith.constant 0 : i32
      %dma_wait3A_99 = tpu.memref_slice %arg5[%dma_wait3A, %dma_wait3A_97, %dma_wait3A_98] : memref<79x2x128xi32, #tpu.memory_space<vmem>> -> memref<78x2x128xi32, #tpu.memory_space<vmem>>
      %dma_wait3A_100 = arith.constant 0 : i32
      %dma_wait3A_101 = arith.constant 0 : i32
      %dma_wait3A_102 = tpu.memref_slice %arg2[%select_n3A, %dma_wait3A_100, %dma_wait3A_101] : memref<2500x2x128xi32, #tpu.memory_space<hbm>> -> memref<78x2x128xi32, #tpu.memory_space<hbm>>
      %dma_wait3A_103 = arith.constant 0 : i32
      %dma_wait3A_104 = arith.constant 0 : i32
      %dma_wait3A_105 = arith.constant 0 : i32
      %dma_wait3A_106 = tpu.memref_slice %arg5[%dma_wait3A_103, %dma_wait3A_104, %dma_wait3A_105] : memref<79x2x128xi32, #tpu.memory_space<vmem>> -> memref<78x2x128xi32, #tpu.memory_space<vmem>>
      %dma_wait3A_107 = arith.constant 0 : i32
      %dma_wait3A_108 = arith.constant 0 : i32
      %dma_wait3A_109 = tpu.memref_slice %arg2[%select_n3A, %dma_wait3A_107, %dma_wait3A_108] : memref<2500x2x128xi32, #tpu.memory_space<hbm>> -> memref<78x2x128xi32, #tpu.memory_space<hbm>>
      tpu.wait_dma2 semaphore(%run_scoped3A : memref<!tpu.dma_semaphore, #tpu.memory_space<semaphore_mem>>) src(%dma_wait3A_109 : memref<78x2x128xi32, #tpu.memory_space<hbm>>) dst(%dma_wait3A_106 : memref<78x2x128xi32, #tpu.memory_space<vmem>>)
      tpu.yield
    }) : () -> ()
    %lt3A_14 = arith.constant 4 : i32
    %lt3A_15 = arith.cmpi slt, %add3A, %lt3A_14 : i32
    %convert_element_type3A = arith.extui %lt3A_15 : i1 to i32
    %cond3A = arith.constant 0 : i32
    %cond3A_16 = arith.cmpi ne, %convert_element_type3A, %cond3A : i32
    scf.if %cond3A_16 {
      %add3A_84 = arith.constant 78 : i32
      %add3A_85 = arith.addi %select_n3A, %add3A_84 : i32
      "tpu.region"() ({
        %run_scoped3A = tpu.sem_alloc : memref<!tpu.dma_semaphore, #tpu.memory_space<semaphore_mem>>
        %dma_start3A = arith.constant 78 : i32
        %dma_start3A_86 = arith.constant 0 : i32
        %dma_start3A_87 = arith.constant 0 : i32
        %dma_start3A_88 = tpu.memref_slice %arg5[%dma_start3A, %dma_start3A_86, %dma_start3A_87] : memref<79x2x128xi32, #tpu.memory_space<vmem>> -> memref<1x2x128xi32, #tpu.memory_space<vmem>>
        %dma_start3A_89 = arith.constant 0 : i32
        %dma_start3A_90 = arith.constant 0 : i32
        %dma_start3A_91 = tpu.memref_slice %arg2[%add3A_85, %dma_start3A_89, %dma_start3A_90] : memref<2500x2x128xi32, #tpu.memory_space<hbm>> -> memref<1x2x128xi32, #tpu.memory_space<hbm>>
        %dma_start3A_92 = arith.constant 78 : i32
        %dma_start3A_93 = arith.constant 0 : i32
        %dma_start3A_94 = arith.constant 0 : i32
        %dma_start3A_95 = tpu.memref_slice %arg5[%dma_start3A_92, %dma_start3A_93, %dma_start3A_94] : memref<79x2x128xi32, #tpu.memory_space<vmem>> -> memref<1x2x128xi32, #tpu.memory_space<vmem>>
        %dma_start3A_96 = arith.constant 0 : i32
        %dma_start3A_97 = arith.constant 0 : i32
        %dma_start3A_98 = tpu.memref_slice %arg2[%add3A_85, %dma_start3A_96, %dma_start3A_97] : memref<2500x2x128xi32, #tpu.memory_space<hbm>> -> memref<1x2x128xi32, #tpu.memory_space<hbm>>
        tpu.enqueue_dma source(%dma_start3A_98 : memref<1x2x128xi32, #tpu.memory_space<hbm>>) target(%dma_start3A_95 : memref<1x2x128xi32, #tpu.memory_space<vmem>>) target_semaphore(%run_scoped3A : memref<!tpu.dma_semaphore, #tpu.memory_space<semaphore_mem>>)
        %dma_wait3A = arith.constant 78 : i32
        %dma_wait3A_99 = arith.constant 0 : i32
        %dma_wait3A_100 = arith.constant 0 : i32
        %dma_wait3A_101 = tpu.memref_slice %arg5[%dma_wait3A, %dma_wait3A_99, %dma_wait3A_100] : memref<79x2x128xi32, #tpu.memory_space<vmem>> -> memref<1x2x128xi32, #tpu.memory_space<vmem>>
        %dma_wait3A_102 = arith.constant 0 : i32
        %dma_wait3A_103 = arith.constant 0 : i32
        %dma_wait3A_104 = tpu.memref_slice %arg2[%add3A_85, %dma_wait3A_102, %dma_wait3A_103] : memref<2500x2x128xi32, #tpu.memory_space<hbm>> -> memref<1x2x128xi32, #tpu.memory_space<hbm>>
        %dma_wait3A_105 = arith.constant 78 : i32
        %dma_wait3A_106 = arith.constant 0 : i32
        %dma_wait3A_107 = arith.constant 0 : i32
        %dma_wait3A_108 = tpu.memref_slice %arg5[%dma_wait3A_105, %dma_wait3A_106, %dma_wait3A_107] : memref<79x2x128xi32, #tpu.memory_space<vmem>> -> memref<1x2x128xi32, #tpu.memory_space<vmem>>
        %dma_wait3A_109 = arith.constant 0 : i32
        %dma_wait3A_110 = arith.constant 0 : i32
        %dma_wait3A_111 = tpu.memref_slice %arg2[%add3A_85, %dma_wait3A_109, %dma_wait3A_110] : memref<2500x2x128xi32, #tpu.memory_space<hbm>> -> memref<1x2x128xi32, #tpu.memory_space<hbm>>
        tpu.wait_dma2 semaphore(%run_scoped3A : memref<!tpu.dma_semaphore, #tpu.memory_space<semaphore_mem>>) src(%dma_wait3A_111 : memref<1x2x128xi32, #tpu.memory_space<hbm>>) dst(%dma_wait3A_108 : memref<1x2x128xi32, #tpu.memory_space<vmem>>)
        tpu.yield
      }) : () -> ()
    } else {
    }
    %scan3A = arith.constant 0 : i32
    %scan3A_17 = arith.constant 0 : i32
    %scan3A_18 = arith.constant 40 : i32
    %scan3A_19 = arith.addi %scan3A_17, %scan3A_18 : i32
    %scan3A_20 = arith.constant 1 : i32
    scf.for %scan3A_84 = %scan3A_17 to %scan3A_19 step %scan3A_20  : i32 {
      %broadcast_in_dim3A_85 = arith.constant 0.000000e+00 : f32
      %broadcast_in_dim3A_86 = vector.broadcast %broadcast_in_dim3A_85 : f32 to vector<16xf32>
      %mul3A_87 = arith.constant 16 : i32
      %mul3A_88 = arith.muli %scan3A_84, %mul3A_87 : i32
      %swap3A_89 = arith.index_cast %mul3A_88 : i32 to index
      %swap3A_90 = tpu.vector_load %arg7[%swap3A_89] {strides = array<i32>} : memref<640xf32, #tpu.memory_space<vmem>>, vector<16xf32>,
      %swap3A_91 = vector.shape_cast %swap3A_90 : vector<16xf32> to vector<16xf32>
      %swap3A_92 = vector.shape_cast %broadcast_in_dim3A_86 : vector<16xf32> to vector<16xf32>
      tpu.vector_store %arg7[%swap3A_89], %swap3A_92 {strides = array<i32>} : memref<640xf32, #tpu.memory_space<vmem>>, vector<16xf32>,
    }
    %scan3A_21 = arith.constant 40 : i32
    %mul3A_22 = arith.constant 640 : i32
    %mul3A_23 = arith.muli %arg1, %mul3A_22 : i32
    "tpu.region"() ({
      %run_scoped3A = tpu.sem_alloc : memref<!tpu.dma_semaphore, #tpu.memory_space<semaphore_mem>>
      %dma_start3A = tpu.memref_slice %arg4[%mul3A_23] : memref<10240xf32, #tpu.memory_space<vmem_shared>> -> memref<640xf32, #tpu.memory_space<vmem_shared>>
      %dma_start3A_84 = tpu.memref_slice %arg4[%mul3A_23] : memref<10240xf32, #tpu.memory_space<vmem_shared>> -> memref<640xf32, #tpu.memory_space<vmem_shared>>
      tpu.enqueue_dma source(%arg7 : memref<640xf32, #tpu.memory_space<vmem>>) target(%dma_start3A_84 : memref<640xf32, #tpu.memory_space<vmem_shared>>) target_semaphore(%run_scoped3A : memref<!tpu.dma_semaphore, #tpu.memory_space<semaphore_mem>>)
      %dma_wait3A = tpu.memref_slice %arg4[%mul3A_23] : memref<10240xf32, #tpu.memory_space<vmem_shared>> -> memref<640xf32, #tpu.memory_space<vmem_shared>>
      %dma_wait3A_85 = tpu.memref_slice %arg4[%mul3A_23] : memref<10240xf32, #tpu.memory_space<vmem_shared>> -> memref<640xf32, #tpu.memory_space<vmem_shared>>
      tpu.wait_dma2 semaphore(%run_scoped3A : memref<!tpu.dma_semaphore, #tpu.memory_space<semaphore_mem>>) src(%arg7 : memref<640xf32, #tpu.memory_space<vmem>>) dst(%dma_wait3A_85 : memref<640xf32, #tpu.memory_space<vmem_shared>>)
      tpu.yield
    }) : () -> ()
    %broadcast_in_dim3A = arith.constant 1.000000e+00 : f32
    %broadcast_in_dim3A_24 = vector.broadcast %broadcast_in_dim3A : f32 to vector<16xf32>
    %swap3A = arith.constant 0 : index
    %swap3A_25 = tpu.vector_load %arg6[%swap3A] {strides = array<i32>} : memref<128xf32, #tpu.memory_space<vmem>>, vector<16xf32>,
    %swap3A_26 = vector.shape_cast %swap3A_25 : vector<16xf32> to vector<16xf32>
    %swap3A_27 = vector.shape_cast %broadcast_in_dim3A_24 : vector<16xf32> to vector<16xf32>
    tpu.vector_store %arg6[%swap3A], %swap3A_27 {strides = array<i32>} : memref<128xf32, #tpu.memory_space<vmem>>, vector<16xf32>,
    %broadcast_in_dim3A_28 = arith.constant 1.000000e+00 : f32
    %broadcast_in_dim3A_29 = vector.broadcast %broadcast_in_dim3A_28 : f32 to vector<16xf32>
    %swap3A_30 = arith.constant 16 : index
    %swap3A_31 = tpu.vector_load %arg6[%swap3A_30] {strides = array<i32>} : memref<128xf32, #tpu.memory_space<vmem>>, vector<16xf32>,
    %swap3A_32 = vector.shape_cast %swap3A_31 : vector<16xf32> to vector<16xf32>
    %swap3A_33 = vector.shape_cast %broadcast_in_dim3A_29 : vector<16xf32> to vector<16xf32>
    tpu.vector_store %arg6[%swap3A_30], %swap3A_33 {strides = array<i32>} : memref<128xf32, #tpu.memory_space<vmem>>, vector<16xf32>,
    %broadcast_in_dim3A_34 = arith.constant 1.000000e+00 : f32
    %broadcast_in_dim3A_35 = vector.broadcast %broadcast_in_dim3A_34 : f32 to vector<16xf32>
    %swap3A_36 = arith.constant 32 : index
    %swap3A_37 = tpu.vector_load %arg6[%swap3A_36] {strides = array<i32>} : memref<128xf32, #tpu.memory_space<vmem>>, vector<16xf32>,
    %swap3A_38 = vector.shape_cast %swap3A_37 : vector<16xf32> to vector<16xf32>
    %swap3A_39 = vector.shape_cast %broadcast_in_dim3A_35 : vector<16xf32> to vector<16xf32>
    tpu.vector_store %arg6[%swap3A_36], %swap3A_39 {strides = array<i32>} : memref<128xf32, #tpu.memory_space<vmem>>, vector<16xf32>,
    %broadcast_in_dim3A_40 = arith.constant 1.000000e+00 : f32
    %broadcast_in_dim3A_41 = vector.broadcast %broadcast_in_dim3A_40 : f32 to vector<16xf32>
    %swap3A_42 = arith.constant 48 : index
    %swap3A_43 = tpu.vector_load %arg6[%swap3A_42] {strides = array<i32>} : memref<128xf32, #tpu.memory_space<vmem>>, vector<16xf32>,
    %swap3A_44 = vector.shape_cast %swap3A_43 : vector<16xf32> to vector<16xf32>
    %swap3A_45 = vector.shape_cast %broadcast_in_dim3A_41 : vector<16xf32> to vector<16xf32>
    tpu.vector_store %arg6[%swap3A_42], %swap3A_45 {strides = array<i32>} : memref<128xf32, #tpu.memory_space<vmem>>, vector<16xf32>,
    %broadcast_in_dim3A_46 = arith.constant 1.000000e+00 : f32
    %broadcast_in_dim3A_47 = vector.broadcast %broadcast_in_dim3A_46 : f32 to vector<16xf32>
    %swap3A_48 = arith.constant 64 : index
    %swap3A_49 = tpu.vector_load %arg6[%swap3A_48] {strides = array<i32>} : memref<128xf32, #tpu.memory_space<vmem>>, vector<16xf32>,
    %swap3A_50 = vector.shape_cast %swap3A_49 : vector<16xf32> to vector<16xf32>
    %swap3A_51 = vector.shape_cast %broadcast_in_dim3A_47 : vector<16xf32> to vector<16xf32>
    tpu.vector_store %arg6[%swap3A_48], %swap3A_51 {strides = array<i32>} : memref<128xf32, #tpu.memory_space<vmem>>, vector<16xf32>,
    %broadcast_in_dim3A_52 = arith.constant 1.000000e+00 : f32
    %broadcast_in_dim3A_53 = vector.broadcast %broadcast_in_dim3A_52 : f32 to vector<16xf32>
    %swap3A_54 = arith.constant 80 : index
    %swap3A_55 = tpu.vector_load %arg6[%swap3A_54] {strides = array<i32>} : memref<128xf32, #tpu.memory_space<vmem>>, vector<16xf32>,
    %swap3A_56 = vector.shape_cast %swap3A_55 : vector<16xf32> to vector<16xf32>
    %swap3A_57 = vector.shape_cast %broadcast_in_dim3A_53 : vector<16xf32> to vector<16xf32>
    tpu.vector_store %arg6[%swap3A_54], %swap3A_57 {strides = array<i32>} : memref<128xf32, #tpu.memory_space<vmem>>, vector<16xf32>,
    %broadcast_in_dim3A_58 = arith.constant 1.000000e+00 : f32
    %broadcast_in_dim3A_59 = vector.broadcast %broadcast_in_dim3A_58 : f32 to vector<16xf32>
    %swap3A_60 = arith.constant 96 : index
    %swap3A_61 = tpu.vector_load %arg6[%swap3A_60] {strides = array<i32>} : memref<128xf32, #tpu.memory_space<vmem>>, vector<16xf32>,
    %swap3A_62 = vector.shape_cast %swap3A_61 : vector<16xf32> to vector<16xf32>
    %swap3A_63 = vector.shape_cast %broadcast_in_dim3A_59 : vector<16xf32> to vector<16xf32>
    tpu.vector_store %arg6[%swap3A_60], %swap3A_63 {strides = array<i32>} : memref<128xf32, #tpu.memory_space<vmem>>, vector<16xf32>,
    %broadcast_in_dim3A_64 = arith.constant 1.000000e+00 : f32
    %broadcast_in_dim3A_65 = vector.broadcast %broadcast_in_dim3A_64 : f32 to vector<16xf32>
    %swap3A_66 = arith.constant 112 : index
    %swap3A_67 = tpu.vector_load %arg6[%swap3A_66] {strides = array<i32>} : memref<128xf32, #tpu.memory_space<vmem>>, vector<16xf32>,
    %swap3A_68 = vector.shape_cast %swap3A_67 : vector<16xf32> to vector<16xf32>
    %swap3A_69 = vector.shape_cast %broadcast_in_dim3A_65 : vector<16xf32> to vector<16xf32>
    tpu.vector_store %arg6[%swap3A_66], %swap3A_69 {strides = array<i32>} : memref<128xf32, #tpu.memory_space<vmem>>, vector<16xf32>,
    %barrier3A = arith.constant 0 : index
    tpu.barrier barrier_id(%barrier3A)
    %while3A = arith.constant 0 : i32
    %while3A_70 = arith.constant 0 : i32
    %while3A_71 = arith.subi %add3A_13, %while3A_70 : i32
    %while3A_72 = arith.addi %while3A_70, %while3A_71 : i32
    %while3A_73 = arith.constant 1 : i32
    %while3A_74 = arith.divsi %while3A_71, %while3A_73 : i32
    %while3A_75 = arith.muli %while3A_74, %while3A_73 : i32
    %while3A_76 = arith.addi %while3A_70, %while3A_75 : i32
    %while3A_77 = arith.constant 1 : i32
    scf.for %while3A_84 = %while3A_70 to %while3A_76 step %while3A_77  : i32 {
      %run_scoped3A = arith.constant 1 : i32
      "tpu.region"() ({
        %run_scoped3A_85 = tpu.sem_alloc : memref<!tpu.dma_semaphore, #tpu.memory_space<semaphore_mem>>
        %dma_start3A = arith.constant 0 : i32
        %dma_start3A_86 = tpu.memref_slice %arg5[%while3A_84, %run_scoped3A, %dma_start3A] : memref<79x2x128xi32, #tpu.memory_space<vmem>> -> memref<1x1x128xi32, #tpu.memory_space<vmem>>
        %dma_start3A_87 = tpu.memref_squeeze %dma_start3A_86 : memref<1x1x128xi32, #tpu.memory_space<vmem>> -> memref<128xi32, #tpu.memory_space<vmem>>
        %dma_start3A_88 = arith.constant 0 : i32
        %dma_start3A_89 = tpu.memref_slice %arg4[%dma_start3A_88] : memref<10240xf32, #tpu.memory_space<vmem_shared>> -> memref<10240xf32, #tpu.memory_space<vmem_shared>>
        tpu.enqueue_indirect_dma source(%arg6 : memref<128xf32, #tpu.memory_space<vmem>>) target(%dma_start3A_89 : memref<10240xf32, #tpu.memory_space<vmem_shared>>) offsets(%dma_start3A_87 : memref<128xi32, #tpu.memory_space<vmem>>) semaphore(%run_scoped3A_85 : memref<!tpu.dma_semaphore, #tpu.memory_space<semaphore_mem>>) {add = true}
        %dma_wait3A = arith.constant 0 : i32
        %dma_wait3A_90 = tpu.memref_slice %arg5[%while3A_84, %run_scoped3A, %dma_wait3A] : memref<79x2x128xi32, #tpu.memory_space<vmem>> -> memref<1x1x128xi32, #tpu.memory_space<vmem>>
        %dma_wait3A_91 = tpu.memref_squeeze %dma_wait3A_90 : memref<1x1x128xi32, #tpu.memory_space<vmem>> -> memref<128xi32, #tpu.memory_space<vmem>>
        %dma_wait3A_92 = arith.constant 0 : i32
        %dma_wait3A_93 = tpu.memref_slice %arg4[%dma_wait3A_92] : memref<10240xf32, #tpu.memory_space<vmem_shared>> -> memref<10240xf32, #tpu.memory_space<vmem_shared>>
        tpu.wait_indirect_dma semaphore(%run_scoped3A_85 : memref<!tpu.dma_semaphore, #tpu.memory_space<semaphore_mem>>) src(%arg6 : memref<128xf32, #tpu.memory_space<vmem>>) dst(%dma_wait3A_93 : memref<10240xf32, #tpu.memory_space<vmem_shared>>)
        tpu.yield
      }) : () -> ()
    }
    %while3A_78 = arith.constant 1 : i32
    scf.for %while3A_84 = %while3A_76 to %while3A_72 step %while3A_78  : i32 {
      %run_scoped3A = arith.constant 1 : i32
      "tpu.region"() ({
        %run_scoped3A_85 = tpu.sem_alloc : memref<!tpu.dma_semaphore, #tpu.memory_space<semaphore_mem>>
        %dma_start3A = arith.constant 0 : i32
        %dma_start3A_86 = tpu.memref_slice %arg5[%while3A_84, %run_scoped3A, %dma_start3A] : memref<79x2x128xi32, #tpu.memory_space<vmem>> -> memref<1x1x128xi32, #tpu.memory_space<vmem>>
        %dma_start3A_87 = tpu.memref_squeeze %dma_start3A_86 : memref<1x1x128xi32, #tpu.memory_space<vmem>> -> memref<128xi32, #tpu.memory_space<vmem>>
        %dma_start3A_88 = arith.constant 0 : i32
        %dma_start3A_89 = tpu.memref_slice %arg4[%dma_start3A_88] : memref<10240xf32, #tpu.memory_space<vmem_shared>> -> memref<10240xf32, #tpu.memory_space<vmem_shared>>
        tpu.enqueue_indirect_dma source(%arg6 : memref<128xf32, #tpu.memory_space<vmem>>) target(%dma_start3A_89 : memref<10240xf32, #tpu.memory_space<vmem_shared>>) offsets(%dma_start3A_87 : memref<128xi32, #tpu.memory_space<vmem>>) semaphore(%run_scoped3A_85 : memref<!tpu.dma_semaphore, #tpu.memory_space<semaphore_mem>>) {add = true}
        %dma_wait3A = arith.constant 0 : i32
        %dma_wait3A_90 = tpu.memref_slice %arg5[%while3A_84, %run_scoped3A, %dma_wait3A] : memref<79x2x128xi32, #tpu.memory_space<vmem>> -> memref<1x1x128xi32, #tpu.memory_space<vmem>>
        %dma_wait3A_91 = tpu.memref_squeeze %dma_wait3A_90 : memref<1x1x128xi32, #tpu.memory_space<vmem>> -> memref<128xi32, #tpu.memory_space<vmem>>
        %dma_wait3A_92 = arith.constant 0 : i32
        %dma_wait3A_93 = tpu.memref_slice %arg4[%dma_wait3A_92] : memref<10240xf32, #tpu.memory_space<vmem_shared>> -> memref<10240xf32, #tpu.memory_space<vmem_shared>>
        tpu.wait_indirect_dma semaphore(%run_scoped3A_85 : memref<!tpu.dma_semaphore, #tpu.memory_space<semaphore_mem>>) src(%arg6 : memref<128xf32, #tpu.memory_space<vmem>>) dst(%dma_wait3A_93 : memref<10240xf32, #tpu.memory_space<vmem_shared>>)
        tpu.yield
      }) : () -> ()
    }
    %barrier3A_79 = arith.constant 0 : index
    tpu.barrier barrier_id(%barrier3A_79)
    %mul3A_80 = arith.constant 640 : i32
    %mul3A_81 = arith.muli %arg1, %mul3A_80 : i32
    %mul3A_82 = arith.constant 640 : i32
    %mul3A_83 = arith.muli %arg1, %mul3A_82 : i32
    "tpu.region"() ({
      %run_scoped3A = tpu.sem_alloc : memref<!tpu.dma_semaphore, #tpu.memory_space<semaphore_mem>>
      %dma_start3A = tpu.memref_slice %arg3[%arg0, %mul3A_83] : memref<2x10240xf32, #tpu.memory_space<hbm>> -> memref<1x640xf32, #tpu.memory_space<hbm>>
      %dma_start3A_84 = tpu.memref_squeeze %dma_start3A : memref<1x640xf32, #tpu.memory_space<hbm>> -> memref<640xf32, #tpu.memory_space<hbm>>
      %dma_start3A_85 = tpu.memref_slice %arg4[%mul3A_81] : memref<10240xf32, #tpu.memory_space<vmem_shared>> -> memref<640xf32, #tpu.memory_space<vmem_shared>>
      tpu.enqueue_dma source(%dma_start3A_85 : memref<640xf32, #tpu.memory_space<vmem_shared>>) target(%dma_start3A_84 : memref<640xf32, #tpu.memory_space<hbm>>) target_semaphore(%run_scoped3A : memref<!tpu.dma_semaphore, #tpu.memory_space<semaphore_mem>>)
      %dma_wait3A = tpu.memref_slice %arg3[%arg0, %mul3A_83] : memref<2x10240xf32, #tpu.memory_space<hbm>> -> memref<1x640xf32, #tpu.memory_space<hbm>>
      %dma_wait3A_86 = tpu.memref_squeeze %dma_wait3A : memref<1x640xf32, #tpu.memory_space<hbm>> -> memref<640xf32, #tpu.memory_space<hbm>>
      %dma_wait3A_87 = tpu.memref_slice %arg4[%mul3A_81] : memref<10240xf32, #tpu.memory_space<vmem_shared>> -> memref<640xf32, #tpu.memory_space<vmem_shared>>
      tpu.wait_dma2 semaphore(%run_scoped3A : memref<!tpu.dma_semaphore, #tpu.memory_space<semaphore_mem>>) src(%dma_wait3A_87 : memref<640xf32, #tpu.memory_space<vmem_shared>>) dst(%dma_wait3A_86 : memref<640xf32, #tpu.memory_space<hbm>>)
      tpu.yield
    }) : () -> ()
    return
  }
}

module attributes {stable_mosaic.version = 14 : i64} {
  func.func @_tc1_body(%arg0: memref<10000x128xf32, #tpu.memory_space<vmem>>, %arg1: memref<128x64xf32, #tpu.memory_space<vmem>>, %arg2: memref<10000x64xf32, #tpu.memory_space<vmem>>) attributes {dimension_semantics = [], scalar_prefetch = 0 : i64, scratch_operands = 0 : i64, tpu.core_type = #tpu.core_type<tc>} {
    %get3A = arith.constant 0 : index
    %get3A_0 = arith.constant 0 : index
    %get3A_1 = vector.load %arg0[%get3A, %get3A_0] : memref<10000x128xf32, #tpu.memory_space<vmem>>, vector<10000x128xf32>
    %get3A_2 = arith.constant 0 : index
    %get3A_3 = arith.constant 0 : index
    %get3A_4 = vector.load %arg1[%get3A_2, %get3A_3] : memref<128x64xf32, #tpu.memory_space<vmem>>, vector<128x64xf32>
    %dot_general3A = arith.constant dense<0.000000e+00> : vector<10000x64xf32>
    %dot_general3A_5 = tpu.matmul %get3A_1, %get3A_4, %dot_general3A {dimension_numbers = #tpu.dot_dimension_numbers<[1], [0], [0], [1], [0, 0, 1, 1], [], []>, transpose_lhs_hint = false} : vector<10000x128xf32>, vector<128x64xf32>, vector<10000x64xf32> -> vector<10000x64xf32>
    %swap3A = arith.constant 0 : index
    %swap3A_6 = arith.constant 0 : index
    %swap3A_7 = vector.load %arg2[%swap3A, %swap3A_6] : memref<10000x64xf32, #tpu.memory_space<vmem>>, vector<10000x64xf32>
    tpu.vector_store %arg2[%swap3A, %swap3A_6], %dot_general3A_5 {strides = array<i32>} : memref<10000x64xf32, #tpu.memory_space<vmem>>, vector<10000x64xf32>,
    return
  }
}

module attributes {stable_mosaic.version = 14 : i64} {
  func.func @_tc_mid_body(%arg0: memref<2x10240x64xf32, #tpu.memory_space<vmem>>, %arg1: memref<10000x64xf32, #tpu.memory_space<vmem>>, %arg2: memref<10000x64xf32, #tpu.memory_space<vmem>>, %arg3: memref<1x64xf32, #tpu.memory_space<vmem>>, %arg4: memref<64x64xf32, #tpu.memory_space<vmem>>, %arg5: memref<10000x64xf32, #tpu.memory_space<vmem>>) attributes {dimension_semantics = [], scalar_prefetch = 0 : i64, scratch_operands = 0 : i64, tpu.core_type = #tpu.core_type<tc>} {
    %get3A = arith.constant 0 : index
    %get3A_0 = arith.constant 0 : index
    %get3A_1 = arith.constant 0 : index
    %get3A_2 = vector.load %arg0[%get3A, %get3A_0, %get3A_1] : memref<2x10240x64xf32, #tpu.memory_space<vmem>>, vector<1x10000x64xf32>
    %get3A_3 = vector.shape_cast %get3A_2 : vector<1x10000x64xf32> to vector<10000x64xf32>
    %get3A_4 = arith.constant 1 : index
    %get3A_5 = arith.constant 0 : index
    %get3A_6 = arith.constant 0 : index
    %get3A_7 = vector.load %arg0[%get3A_4, %get3A_5, %get3A_6] : memref<2x10240x64xf32, #tpu.memory_space<vmem>>, vector<1x10000x64xf32>
    %get3A_8 = vector.shape_cast %get3A_7 : vector<1x10000x64xf32> to vector<10000x64xf32>
    %add3A = arith.addf %get3A_3, %get3A_8 : vector<10000x64xf32>
    %get3A_9 = arith.constant 0 : index
    %get3A_10 = arith.constant 0 : index
    %get3A_11 = vector.load %arg1[%get3A_9, %get3A_10] : memref<10000x64xf32, #tpu.memory_space<vmem>>, vector<10000x64xf32>
    %get3A_12 = arith.constant 0 : index
    %get3A_13 = arith.constant 0 : index
    %get3A_14 = vector.load %arg2[%get3A_12, %get3A_13] : memref<10000x64xf32, #tpu.memory_space<vmem>>, vector<10000x64xf32>
    %mul3A = arith.mulf %get3A_11, %get3A_14 : vector<10000x64xf32>
    %add3A_15 = arith.addf %add3A, %mul3A : vector<10000x64xf32>
    %get3A_16 = arith.constant 0 : index
    %get3A_17 = arith.constant 0 : index
    %get3A_18 = vector.load %arg2[%get3A_16, %get3A_17] : memref<10000x64xf32, #tpu.memory_space<vmem>>, vector<10000x64xf32>
    %mul3A_19 = arith.mulf %add3A_15, %get3A_18 : vector<10000x64xf32>
    %get3A_20 = arith.constant 0 : index
    %get3A_21 = arith.constant 0 : index
    %get3A_22 = vector.load %arg3[%get3A_20, %get3A_21] : memref<1x64xf32, #tpu.memory_space<vmem>>, vector<1x64xf32>
    %add3A_23 = vector.broadcast %get3A_22 : vector<1x64xf32> to vector<10000x64xf32>
    %add3A_24 = arith.addf %mul3A_19, %add3A_23 : vector<10000x64xf32>
    %max3A = arith.constant 0.000000e+00 : f32
    %max3A_25 = vector.broadcast %max3A : f32 to vector<10000x64xf32>
    %max3A_26 = arith.maximumf %add3A_24, %max3A_25 : vector<10000x64xf32>
    %get3A_27 = arith.constant 0 : index
    %get3A_28 = arith.constant 0 : index
    %get3A_29 = vector.load %arg4[%get3A_27, %get3A_28] : memref<64x64xf32, #tpu.memory_space<vmem>>, vector<64x64xf32>
    %dot_general3A = arith.constant dense<0.000000e+00> : vector<10000x64xf32>
    %dot_general3A_30 = tpu.matmul %max3A_26, %get3A_29, %dot_general3A {dimension_numbers = #tpu.dot_dimension_numbers<[1], [0], [0], [1], [0, 0, 1, 1], [], []>, transpose_lhs_hint = false} : vector<10000x64xf32>, vector<64x64xf32>, vector<10000x64xf32> -> vector<10000x64xf32>
    %swap3A = arith.constant 0 : index
    %swap3A_31 = arith.constant 0 : index
    %swap3A_32 = vector.load %arg5[%swap3A, %swap3A_31] : memref<10000x64xf32, #tpu.memory_space<vmem>>, vector<10000x64xf32>
    tpu.vector_store %arg5[%swap3A, %swap3A_31], %dot_general3A_30 {strides = array<i32>} : memref<10000x64xf32, #tpu.memory_space<vmem>>, vector<10000x64xf32>,
    return
  }
}

module attributes {stable_mosaic.version = 14 : i64} {
  func.func @_tc_fin_body(%arg0: memref<2x10240x64xf32, #tpu.memory_space<vmem>>, %arg1: memref<10000x64xf32, #tpu.memory_space<vmem>>, %arg2: memref<10000x64xf32, #tpu.memory_space<vmem>>, %arg3: memref<1x64xf32, #tpu.memory_space<vmem>>, %arg4: memref<64x2xf32, #tpu.memory_space<vmem>>, %arg5: memref<1x2xf32, #tpu.memory_space<vmem>>, %arg6: memref<10000x2xf32, #tpu.memory_space<vmem>>) attributes {dimension_semantics = [], scalar_prefetch = 0 : i64, scratch_operands = 0 : i64, tpu.core_type = #tpu.core_type<tc>} {
    %get3A = arith.constant 0 : index
    %get3A_0 = arith.constant 0 : index
    %get3A_1 = arith.constant 0 : index
    %get3A_2 = vector.load %arg0[%get3A, %get3A_0, %get3A_1] : memref<2x10240x64xf32, #tpu.memory_space<vmem>>, vector<1x10000x64xf32>
    %get3A_3 = vector.shape_cast %get3A_2 : vector<1x10000x64xf32> to vector<10000x64xf32>
    %get3A_4 = arith.constant 1 : index
    %get3A_5 = arith.constant 0 : index
    %get3A_6 = arith.constant 0 : index
    %get3A_7 = vector.load %arg0[%get3A_4, %get3A_5, %get3A_6] : memref<2x10240x64xf32, #tpu.memory_space<vmem>>, vector<1x10000x64xf32>
    %get3A_8 = vector.shape_cast %get3A_7 : vector<1x10000x64xf32> to vector<10000x64xf32>
    %add3A = arith.addf %get3A_3, %get3A_8 : vector<10000x64xf32>
    %get3A_9 = arith.constant 0 : index
    %get3A_10 = arith.constant 0 : index
    %get3A_11 = vector.load %arg1[%get3A_9, %get3A_10] : memref<10000x64xf32, #tpu.memory_space<vmem>>, vector<10000x64xf32>
    %get3A_12 = arith.constant 0 : index
    %get3A_13 = arith.constant 0 : index
    %get3A_14 = vector.load %arg2[%get3A_12, %get3A_13] : memref<10000x64xf32, #tpu.memory_space<vmem>>, vector<10000x64xf32>
    %mul3A = arith.mulf %get3A_11, %get3A_14 : vector<10000x64xf32>
    %add3A_15 = arith.addf %add3A, %mul3A : vector<10000x64xf32>
    %get3A_16 = arith.constant 0 : index
    %get3A_17 = arith.constant 0 : index
    %get3A_18 = vector.load %arg2[%get3A_16, %get3A_17] : memref<10000x64xf32, #tpu.memory_space<vmem>>, vector<10000x64xf32>
    %mul3A_19 = arith.mulf %add3A_15, %get3A_18 : vector<10000x64xf32>
    %get3A_20 = arith.constant 0 : index
    %get3A_21 = arith.constant 0 : index
    %get3A_22 = vector.load %arg3[%get3A_20, %get3A_21] : memref<1x64xf32, #tpu.memory_space<vmem>>, vector<1x64xf32>
    %add3A_23 = vector.broadcast %get3A_22 : vector<1x64xf32> to vector<10000x64xf32>
    %add3A_24 = arith.addf %mul3A_19, %add3A_23 : vector<10000x64xf32>
    %max3A = arith.constant 0.000000e+00 : f32
    %max3A_25 = vector.broadcast %max3A : f32 to vector<10000x64xf32>
    %max3A_26 = arith.maximumf %add3A_24, %max3A_25 : vector<10000x64xf32>
    %get3A_27 = arith.constant 0 : index
    %get3A_28 = arith.constant 0 : index
    %get3A_29 = vector.load %arg4[%get3A_27, %get3A_28] : memref<64x2xf32, #tpu.memory_space<vmem>>, vector<64x2xf32>
    %dot_general3A = arith.constant dense<0.000000e+00> : vector<10000x2xf32>
    %dot_general3A_30 = tpu.matmul %max3A_26, %get3A_29, %dot_general3A {dimension_numbers = #tpu.dot_dimension_numbers<[1], [0], [0], [1], [0, 0, 1, 1], [], []>, transpose_lhs_hint = false} : vector<10000x64xf32>, vector<64x2xf32>, vector<10000x2xf32> -> vector<10000x2xf32>
    %get3A_31 = arith.constant 0 : index
    %get3A_32 = arith.constant 0 : index
    %get3A_33 = vector.load %arg5[%get3A_31, %get3A_32] : memref<1x2xf32, #tpu.memory_space<vmem>>, vector<1x2xf32>
    %add3A_34 = vector.broadcast %get3A_33 : vector<1x2xf32> to vector<10000x2xf32>
    %add3A_35 = arith.addf %dot_general3A_30, %add3A_34 : vector<10000x2xf32>
    %swap3A = arith.constant 0 : index
    %swap3A_36 = arith.constant 0 : index
    %swap3A_37 = vector.load %arg6[%swap3A, %swap3A_36] : memref<10000x2xf32, #tpu.memory_space<vmem>>, vector<10000x2xf32>
    tpu.vector_store %arg6[%swap3A, %swap3A_36], %add3A_35 {strides = array<i32>} : memref<10000x2xf32, #tpu.memory_space<vmem>>, vector<10000x2xf32>,
    return
  }
}

</mosaic_0001>

<sc_bundles>
// kernel: kernel.11.cloned.1.call-start
scs
__scs_entry_jumppad:
0x0: {  	(pc) =	sbr.rel $0x88, $3  }
0x1: {  	(tag) =	ssettag $0x0;
	lr =	simm.s32 $0x1  }
0x2: {  	[smem:$0x3F99] =	sst lr;
	_ =	strace $0xD0000000  }
0x3: {  	_ = 	snop  }
0x4: {  	_ = 	snop  }
0x5: {  	_ = 	snop  }
0x6: {  	_ = 	snop  }
0x7: {  	_ = 	snop  }
__scs_overlays_trampoline_lowered:
0x8: {  	[smem:$0x3FA8] =	sst s0  }
0x9: {  	[smem:$0x3FA9] =	sst s1  }
0xa: {  	[smem:$0x3FAA] =	sst s2  }
0xb: {  	[smem:$0x3FAB] =	sst s3  }
0xc: {  	[smem:$0x3FAC] =	sst s4  }
0xd: {  	[smem:$0x3FAD] =	sst s5  }
0xe: {  	[smem:$0x3FAE] =	sst s6  }
0xf: {  	[smem:$0x3FAF] =	sst s7  }
0x10: {  	[smem:$0x3FB0] =	sst s8  }
0x11: {  	[smem:$0x3FB1] =	sst s9;
	s0 =	simm.s32 @!p0 $0x0  }
0x12: {  	s1 =	sld [smem:$0x3F97];
	s0 =	simm.s32 @p0 $0x1  }
0x13: {  	[smem:$0x3FB2] =	sst s0;
	s0 =	simm.s32 @!p1 $0x0  }
0x14: {  	s2 =	sld [smem:$0x3F96];
	s0 =	simm.s32 @p1 $0x1  }
0x15: {  	[smem:$0x3FB3] =	sst s0;
	s0 =	simm.s32 @!p2 $0x0  }
0x16: {  	s3 =	sld [smem:$0x3FDB];
	s0 =	simm.s32 @p2 $0x1  }
0x17: {  	s4 =	simm.s32 $0x1BF5;
	[smem:$0x3FB5] =	sst s0  }
0x18: {  	s0 =	sld [smem:$0x3F98];
	_ =	swait.ge [sflag:s4], $0x0  }
0x19: {  	s7 =	sld [smem:$0x3F99]  }
0x1a: {  	s8 =	sadd.s32 $0xFFFFE003, lr  }
0x1b: {  	s9 =	sadd.s32 $0xFFFFFEF7, lr;
	s5 =	simm.s32 $0xFFFFFFFF;
	p2 =	slt.u32 s8, $0xFFFFF086  }
0x1c: {  	p1 =	slt.u32 s9, $0xF7A;
	s5 =	simm.s32 @!p2 $0x0  }
0x1d: {  	s5 =	simm.s32 @p1 $0x1;
	p0 =	seq.s32 s7, s2  }
0x1e: {  	s7 =	smul.u32 @!p0 $0xF7A, s2;
	p2 =	seq.s32 @!p0 s5, $0x0  }
0x1f: {  	s9 =	smul.u32 $0xF7A, s1;
	s8 =	simm.s32 @!p0 $0x1BF5;
	p2 =	por !p2, p0  }
0x20: {  	[sflag:s8] =	ssyncset.s32 @!p0 $0xFFFFF086;
	s6 =	sadd.s32 @!p0 s3, s7;
	s7 =	simm.s32 @!p0 $0x108  }
0x21: {  	s3 =	sadd.s32 s3, s9;
	s6 =	sadd.s32 @!p0 $0x88, s6;
	s7 =	simm.s32 @p2 $0x1082  }
0x22: {  	[simem:s7], [sflag:s8] =	dma.local @!p0 [hbm:s6], $0xF7A  }
0x23: {  	s9 =	sor.u32 $0xD0000000, s2;
	s6 =	simm.s32 $0x108;
	_ =	swait.ge @!p0 [sflag:s8], $0x0  }
0x24: {  	s3 =	sadd.s32 $0x88, s3;
	s6 =	simm.s32 @!p1 $0x1082;
	[sflag:s4] =	ssyncset.s32 $0xFFFFF086  }
0x25: {  	[simem:s6], [sflag:s4] =	dma.local [hbm:s3], $0xF7A  }
0x26: {  	[smem:$0x3F99] =	sst s1;
	(tag) =	ssettag s2;
	_ =	strace s9  }
0x27: {  	s1 =	sld [smem:$0x3FA9]  }
0x28: {  	s2 =	sld [smem:$0x3FAA]  }
0x29: {  	s4 =	sld [smem:$0x3FAC]  }
0x2a: {  	p0 =	seq.s32 s5, $0x0;
	s5 =	sld [smem:$0x3FAD]  }
0x2b: {  	s6 =	sld [smem:$0x3FAE]  }
0x2c: {  	s7 =	sld [smem:$0x3FAF]  }
0x2d: {  	s3 =	simm.s32 $0x108;
	s8 =	sld [smem:$0x3FB0]  }
0x2e: {  	s3 =	simm.s32 @!p0 $0x1082;
	s9 =	sld [smem:$0x3FB1]  }
0x2f: {  	lr =	sadd.s32 s0, s3;
	s0 =	sld [smem:$0x3FA8]  }
0x30: {  	s3 =	sld [smem:$0x3FAB]  }
0x31: {  	[smem:$0x3FB4] =	sst s10  }
0x32: {  	s10 =	sld [smem:$0x3FB2];
	_ =	sdelay $0x3  }
0x33: {  	p0 =	seq.s32 s10, $0x1;
	s10 =	sld [smem:$0x3FB4];
	_ =	sdelay $0x3  }
0x34: {  	[smem:$0x3FB4] =	sst s10  }
0x35: {  	s10 =	sld [smem:$0x3FB3];
	_ =	sdelay $0x3  }
0x36: {  	p1 =	seq.s32 s10, $0x1;
	s10 =	sld [smem:$0x3FB4];
	_ =	sdelay $0x3  }
0x37: {  	[smem:$0x3FB4] =	sst s10  }
0x38: {  	s10 =	sld [smem:$0x3FB5]  }
0x39: {  	_ = 	snop;
	(pc) =	sbr.ind lr, $3  }
0x3a: {  	_ = 	snop  }
0x3b: {  	_ = 	snop  }
0x3c: {  	p2 =	seq.s32 s10, $0x1;
	s10 =	sld [smem:$0x3FB4]  }
0x3d: {  	_ =	shalt  }
0x3e: {  	_ =	shalt  }
0x3f: {  	_ =	shalt  }
0x40: {  	_ =	shalt  }
0x41: {  	_ =	shalt  }
0x42: {  	_ =	shalt  }
0x43: {  	_ =	shalt  }
0x44: {  	_ =	shalt  }
0x45: {  	_ =	shalt  }
0x46: {  	_ =	shalt  }
0x47: {  	_ =	shalt  }
0x48: {  	_ =	shalt  }
0x49: {  	_ =	shalt  }
0x4a: {  	_ =	shalt  }
0x4b: {  	_ =	shalt  }
0x4c: {  	_ =	shalt  }
0x4d: {  	_ =	shalt  }
0x4e: {  	_ =	shalt  }
0x4f: {  	_ =	shalt  }
0x50: {  	_ =	shalt  }
0x51: {  	_ =	shalt  }
0x52: {  	_ =	shalt  }
0x53: {  	_ =	shalt  }
0x54: {  	_ =	shalt  }
0x55: {  	_ =	shalt  }
0x56: {  	_ =	shalt  }
0x57: {  	_ =	shalt  }
0x58: {  	_ =	shalt  }
0x59: {  	_ =	shalt  }
0x5a: {  	_ =	shalt  }
0x5b: {  	_ =	shalt  }
0x5c: {  	_ =	shalt  }
0x5d: {  	_ =	shalt  }
0x5e: {  	_ =	shalt  }
0x5f: {  	_ =	shalt  }
0x60: {  	_ =	shalt  }
0x61: {  	_ =	shalt  }
0x62: {  	_ =	shalt  }
0x63: {  	_ =	shalt  }
0x64: {  	_ =	shalt  }
0x65: {  	_ =	shalt  }
0x66: {  	_ =	shalt  }
0x67: {  	_ =	shalt  }
0x68: {  	_ =	shalt  }
0x69: {  	_ =	shalt  }
0x6a: {  	_ =	shalt  }
0x6b: {  	_ =	shalt  }
0x6c: {  	_ =	shalt  }
0x6d: {  	_ =	shalt  }
0x6e: {  	_ =	shalt  }
0x6f: {  	_ =	shalt  }
0x70: {  	_ =	shalt  }
0x71: {  	_ =	shalt  }
0x72: {  	_ =	shalt  }
0x73: {  	_ =	shalt  }
0x74: {  	_ =	shalt  }
0x75: {  	_ =	shalt  }
0x76: {  	_ =	shalt  }
0x77: {  	_ =	shalt  }
0x78: {  	_ =	shalt  }
0x79: {  	_ =	shalt  }
0x7a: {  	_ =	shalt  }
0x7b: {  	_ =	shalt  }
0x7c: {  	_ =	shalt  }
0x7d: {  	_ =	shalt  }
0x7e: {  	_ =	shalt  }
0x7f: {  	_ =	shalt  }
0x80: {  	_ =	shalt  }
0x81: {  	_ =	shalt  }
0x82: {  	_ =	shalt  }
0x83: {  	_ =	shalt  }
0x84: {  	_ =	shalt  }
0x85: {  	_ =	shalt  }
0x86: {  	_ =	shalt  }
0x87: {  	_ =	shalt  }
.Lfunc_end0:
.L_simem_size_0:
called_computation.1_lowered:
.L_overlay_start_0:
0x88: {  	s2 =	sld [smem:$0x3FD9]  }
0x89: {  	s3 =	sld [smem:$0x3FFE];
	_ =	sdelay $0x1  }
0x8a: {  	s1 =	srdreg.scid  }
0x8b: {  	s0 =	sand.u32 $0x1, s1  }
0x8c: {  	s17 =	sshll.u32 s0, $0xA;
	s2 =	sadd.s32 s3, s2  }
0x8d: {  	s2 =	sadd.s32 s2, s17  }
0x8e: {  	[smem:$0x3FC0] =	sst s2  }
0x8f: {  	_ = 	snop  }
0x90: {  	s2 =	sld [smem:$0x3FC8];
	(tm) =	ssettm $0x1  }
0x91: {  	s18 =	sld [smem:$0x3FFB];
	_ =	sdelay $0x3  }
0x92: {  	_ =	strace s18  }
0x93: {  	s3 =	sld [smem:$0x3FFC];
	_ =	sdelay $0x3  }
0x94: {  	_ =	strace s3  }
0x95: {  	s3 =	sld [smem:$0x3FFD];
	_ =	sdelay $0x3  }
0x96: {  	_ =	strace s3  }
0x97: {  	_ =	strace $0x8FFFFFFF  }
0x98: {  	s19 =	sld [smem:$0x3FDB];
	_ =	sdelay $0x1  }
0x99: {  	s4 =	simm.s32 $_scs_section_size  }
0x9a: {  	s5 =	simm.s32 $_size__tile_overlayer_lowered;
	s6 =	simm.s32 $_tile_overlayer_lowered  }
0x9b: {  	s22 =	simm.s32 $0x1BFF;
	s21 =	sshll.u32 s6, $0x1;
	s3 =	sadd.s32 s4, s19  }
0x9c: {  	s7 =	simm.s32 $0x0;
	s20 =	sshll.u32 s5, $0x1;
	s5 =	sadd.s32 s21, s3  }
0x9d: {  	[timem:s7], [sflag:s22] =	dma.local [hbm:s5], s20  }
0x9e: {  	_ =	swait.ge [sflag:s22], s20  }
0x9f: {  	s4 =	ssub.s32 $0x0, s20;
	[sflag:s22] =	ssyncset.done $0x0  }
0xa0: {  	[sflag:s22] =	ssyncadd.s32 s4;
	_ =	sdelay $0x1  }
0xa1: {  	s23 =	simm.s32 $0x1B8B  }
0xa2: {  	_ =	swait.ge [sflag:s23], $0x1  }
0xa3: {  	[sflag:s23] =	ssyncset.done $0x0  }
0xa4: {  	s25 =	simm.s32 $0x1B8E;
	s24 =	sld [smem:$0x3FFE];
	[sflag:s23] =	ssyncadd.s32 $0xFFFFFFFF  }
0xa5: {  	s26 =	simm.s32 $execute0_lowered;
	[smem:$0x3FD2] =	sst s25  }
0xa6: {  	s5 =	sshll.u32 s26, $0x1;
	_ =	strace $0x80000049;
	[dreg:$0x1] =	wrdreg $0xFFFFFFFF  }
0xa7: {  	s28 =	simm.s32 $_size_execute0_lowered;
	s3 =	sadd.s32 s3, s5;
	[dreg:$0x0] =	wrdreg $0x0  }
0xa8: {  	s5 =	sshll.u32 s28, $0x1;
	[dreg:$0x2] =	wrdreg s3  }
0xa9: {  	[dreg:$0x3] =	wrdreg s5  }
0xaa: {  	[dreg:$0x4] =	wrdreg $0xC0  }
0xab: {  	_ =	task [dreg:s7], $0x5FFFF  }
0xac: {  	[dreg:$0x1] =	wrdreg $0xFFFFFFFF  }
0xad: {  	[dreg:$0x0] =	wrdreg $0x60  }
0xae: {  	[dreg:$0x2] =	wrdreg s24  }
0xaf: {  	[dreg:$0x3] =	wrdreg s2  }
0xb0: {  	[dreg:$0x4] =	wrdreg $0xA0000  }
0xb1: {  	[dreg:$0x5] =	wrdreg $0x0  }
0xb2: {  	[dreg:$0x6] =	wrdreg $0x9  }
0xb3: {  	_ =	task.clear_ibuf [dreg:s7], $0x7FFFF;
	_ =	strace $0x90000049  }
0xb4: {  	s29 =	simm.s32 $0x9;
	_ =	strace $0x8000004B  }
0xb5: {  	_ =	swait.ge [sflag:s29], $0x1  }
0xb6: {  	[sflag:s29] =	ssyncadd.s32 $0xFFFFFFFF  }
0xb7: {  	_ =	strace $0x9000004B  }
0xb8: {  	_ =	sfence  }
0xb9: {  	s30 =	sld [smem:$0x0];
	_ =	sdelay $0x2  }
0xba: {  	s31 =	sshll.u32 s1, $0xD;
	s1 =	sshrl.u32 s1, $0x2  }
0xbb: {  	s3 =	sand.u32 $0x4000, s31;
	s1 =	sadd.s32 s1, s30  }
0xbc: {  	s0 =	sor.u32 s3, s0;
	s1 =	sshll.u32 s1, $0x11  }
0xbd: {  	s0 =	sor.u32 s1, s0  }
0xbe: {  	s0 =	sadd.s32 $0x8F2B, s0  }
0xbf: {  	[sflag:s0] =	ssyncadd.remote.s32 $0x1  }
0xc0: {  	_ =	sfence.sel $0xFFFF  }
0xc1: {  	[dreg:$0x0] =	wrdreg $0xFFFFFFFF;
	(pc) =	sbr.abs _section_cstart, $3  }
0xc2: {  	[dreg:$0x1] =	wrdreg $0xFFFFFFFF  }
0xc3: {  	_ =	task.clear_ibuf [dreg:s7], $0x2FFFF;
	_ =	strace $0x9FFFFFFF  }
0xc4: {  	(tm) =	ssettm $0x7FFFFFFF  }
0xc5: {  	_ =	shalt  }
tec
execute0_lowered:
.L_overlay_start_1:
0x0: {  	(tag) =	ssettag $0x1  }
0x1: {  	s0 =	rddreg [dreg:$0x0]  }
0x2: {  	s1 =	rddreg [dreg:$0x1]  }
0x3: {  	s2 =	rddreg [dreg:$0x2]  }
0x4: {  	s3 =	rddreg [dreg:$0x3]  }
0x5: {  	s4 =	stileid.u32;
	s5 =	srdreg.scid;
	s6 =	simm.s32 $0x0  }
0x6: {  	s16 =	simm.s32 $0x13C40;
	s19 =	simm.s32 $0x18B40;
	s20 =	simm.s32 $0x5  }
0x7: {  	s28 =	simm.s32 $0x4;
	s29 =	simm.s32 $0x188C0;
	s7 =	smul.u32 $0x9C40, s4  }
0x8: {  	s30 =	simm.s32 $0x189C0;
	s31 =	simm.s32 $0x0;
	s8 =	smul.u32 $0xA000, s4  }
0x9: {  	s5 =	sand.u32 $0x1, s5;
	s9 =	sshll.u32 s4, $0x1;
	s23 =	smul.u32 $0x28000, s4  }
0xa: {  	[smem:$0x7FF] =	sst s6;
	s21 =	smul.u32 $0xA0000, s5;
	s9 =	sor.u32 s5, s9  }
0xb: {  	p0 =	slt.u32 s4, $0x2;
	s15 =	sshll.u32 s4, $0x6;
	s11 =	smul.u32 $0x4E, s9  }
0xc: {  	_ =	strace $0x8000004A;
	s5 =	ssub.s32 $0x2, s5;
	s12 =	smul.u32 $0x4F, s9  }
0xd: {  	s17 =	sor.u32 $0x1C03, s15;
	s10 =	sshrl.u32 s7, $0x3;
	s9 =	smul.u32 $0x4F00, s9  }
0xe: {  	s22 =	sshrl.u32 s5, $0x1;
	s26 =	sshrl.u32 s23, $0x2;
	s18 =	sadd.s32 s7, s2  }
0xf: {  	s23 =	simm.s32 $0x80;
	s10 =	sadd.s32 s10, s0;
	s6 =	sadd.s32 s8, s21  }
0x10: {  	s14 =	ssub.s32 s5, s22;
	s8 =	sadd.s32 s8, s3;
	s18 =	sshrl.u32 s18, $0x3  }
0x11: {  	s21 =	simm.s32 $0x1;
	s22 =	simm.s32 $0x3;
	s6 =	sshrl.u32 s6, $0x3  }
0x12: {  	s11 =	sadd.s32 $0x4, s11;
	s9 =	sshrl.u32 s9, $0x3;
	s7 =	sadd.s32 $0x1600, s10  }
0x13: {  	s14 =	smax.u32 s14, $0x1;
	s0 =	sadd.s32 s6, s0;
	s11 =	smov.u32 @p0 s12  }
0x14: {  	s25 =	sadd.s32 s1, s9;
	p0 =	sgt.u32 s4, $0x1;
	s11 =	sshll.u32 s11, $0x5  }
0x15: {  	s6 =	sadd.s32 $0x9C0, s25;
	s13 =	sadd.s32 $0x15000, s0;
	s24 =	sand.u32 $0x1FFFFFE0, s11  }
0x16: {  	s25 =	simm.s32 $0x1AB40;
	s5 =	sadd.s32 s1, s24;
	s1 =	sadd.s32 s26, s3  }
0x17: {  	s24 =	simm.s32 $0x13D40;
	s26 =	simm.s32 $0x2;
	s9 =	sadd.s32 $0x2000, s1  }
0x18: {  	v0 =	vimm.f32 $0.0e+00;
	s10 =	sadd.s32 $0x4000, s1;
	s11 =	sadd.s32 $0x6000, s1;
	s12 =	sadd.s32 $0x8000, s1  }
.LBB2_1:
0x19: {  	s0 =	simm.s32 $0x0  }
0x1a: {  	[tilespmem:s16], [sflag:$0x1] =	stream.linear.gather [hbm4b:s5+s0], $0x4E00, $0x38;
	[tilespmem:$0x1CB40] =	vst v63  }
0x1b: {  	s1 =	simm.s32 @!p0 $0x18A40;
	s0 =	simm.s32 @!p0 $0x0  }
0x1c: {  	[tilespmem:s1], [sflag:$0x2] =	stream.linear.gather @!p0 [hbm4b:s6+s0], $0x100, $0x38;
	[tilespmem:$0x1CB40] =	vst v63  }
0x1d: {  	s1 =	simm.s32 $0x100;
	s0 =	simm.s32 $0x0  }
0x1e: {  	[spmem:s18], [sflag:s17] =	dma.local [hbm:s7], $0x1388  }
.LBB2_2:
0x1f: {  	p1 =	sne.s32 s1, $0x7F00;
	[tilespmem:s0+$0x18B70] =	vst v0;
	s4 =	smov.u32 s1;
	s1 =	sadd.s32 $0x100, s1  }
.Ltmp0:
0x20: {  	[tilespmem:s0+$0x18B60] =	vst v0;
	(pc) =	sbr.rel @p1 .LBB2_2-.Ltmp0, $3  }
0x21: {  	[tilespmem:s0+$0x18B40] =	vst v0  }
0x22: {  	[tilespmem:s0+$0x18B50] =	vst v0;
	_ =	sdelay $0x1  }
0x23: {  	s0 =	sshra.s32 s4, $0x2  }
0x24: {  	[tilespmem:s0+$0x18B70] =	vst v0  }
0x25: {  	[tilespmem:s0+$0x18B60] =	vst v0  }
0x26: {  	[tilespmem:s0+$0x18B40] =	vst v0  }
0x27: {  	[tilespmem:s0+$0x18B50] =	vst v0  }
0x28: {  	[spmem:s8] =	stream.linear.scatter [tilespmem:s19], [sflag:$0x5], $0x2000, $0x38;
	[tilespmem:$0x1CB40] =	vst v63  }
0x29: {  	_ =	swait.ge [sflag:s20], $0x2000  }
0x2a: {  	[sflag:s20] =	ssyncset.done $0x0  }
0x2b: {  	[sflag:s20] =	ssyncadd.s32 $0xFFFFE000  }
0x2c: {  	[spmem:s9] =	stream.linear.scatter [tilespmem:s19], [sflag:$0x5], $0x2000, $0x38;
	[tilespmem:$0x1CB40] =	vst v63  }
0x2d: {  	_ =	swait.ge [sflag:s20], $0x2000  }
0x2e: {  	[sflag:s20] =	ssyncset.done $0x0  }
0x2f: {  	[sflag:s20] =	ssyncadd.s32 $0xFFFFE000  }
0x30: {  	[spmem:s10] =	stream.linear.scatter [tilespmem:s19], [sflag:$0x5], $0x2000, $0x38;
	[tilespmem:$0x1CB40] =	vst v63  }
0x31: {  	_ =	swait.ge [sflag:s20], $0x2000  }
0x32: {  	[sflag:s20] =	ssyncset.done $0x0  }
0x33: {  	[sflag:s20] =	ssyncadd.s32 $0xFFFFE000  }
0x34: {  	[spmem:s11] =	stream.linear.scatter [tilespmem:s19], [sflag:$0x5], $0x2000, $0x38;
	[tilespmem:$0x1CB40] =	vst v63  }
0x35: {  	_ =	swait.ge [sflag:s20], $0x2000  }
0x36: {  	[sflag:s20] =	ssyncset.done $0x0  }
0x37: {  	[sflag:s20] =	ssyncadd.s32 $0xFFFFE000  }
0x38: {  	[spmem:s12] =	stream.linear.scatter [tilespmem:s19], [sflag:$0x5], $0x2000, $0x38;
	[tilespmem:$0x1CB40] =	vst v63  }
0x39: {  	_ =	swait.ge [sflag:s20], $0x2000  }
0x3a: {  	[sflag:s20] =	ssyncset.done $0x0  }
0x3b: {  	[sflag:s20] =	ssyncadd.s32 $0xFFFFE000  }
0x3c: {  	_ =	swait.ge [sflag:s21], $0x4E00  }
0x3d: {  	[sflag:s21] =	ssyncset.done $0x0  }
0x3e: {  	s0 =	simm.s32 @!p0 $0x2;
	[sflag:s21] =	ssyncadd.s32 $0xFFFFB200  }
0x3f: {  	_ =	swait.ge @!p0 [sflag:s0], $0x100  }
0x40: {  	[sflag:s0] =	ssyncset.done @!p0 $0x0  }
0x41: {  	[sflag:s0] =	ssyncadd.s32 @!p0 $0xFFFFFF00  }
0x42: {  	_ =	swait.ge [sflag:s22], $0x1388  }
0x43: {  	[sflag:s22] =	ssyncset.done $0x0  }
0x44: {  	[sflag:s22] =	ssyncadd.s32 $0xFFFFEC78  }
0x45: {  	[bflag:$0x0] =	sbarrier.arrive $0xFFFF  }
0x46: {  	[tilespmem:s19], [sflag:$0x1] =	stream.indirect.gather [spmem:s2], $0x40, s16, s23, $0xb8;
	[tilespmem:$0x1CB40] =	vst v63  }
0x47: {  	_ = 	snop  }
0x48: {  	[tilespmem:s25], [sflag:$0x2] =	stream.indirect.gather [spmem:s2], $0x40, s24, s23, $0xb8;
	[tilespmem:$0x1CB40] =	vst v63  }
0x49: {  	_ =	swait.ge [sflag:s21], $0x2000  }
0x4a: {  	[sflag:s21] =	ssyncset.done $0x0  }
0x4b: {  	s4 =	simm.s32 $0x13CC0;
	[sflag:s21] =	ssyncadd.s32 $0xFFFFE000  }
0x4c: {  	[spmem:s3] =	stream.indirect.scatter.add.f32 [tilespmem:s19], [sflag:$0x3], $0x40, s4, s23, $0xb8;
	[tilespmem:$0x1CB40] =	vst v63  }
0x4d: {  	_ =	swait.ge [sflag:s26], $0x2000  }
0x4e: {  	[sflag:s26] =	ssyncset.done $0x0  }
0x4f: {  	s1 =	simm.s32 $0x13DC0;
	[sflag:s26] =	ssyncadd.s32 $0xFFFFE000  }
0x50: {  	[spmem:s3] =	stream.indirect.scatter.add.f32 [tilespmem:s25], [sflag:$0x4], $0x40, s1, s23, $0xb8;
	[tilespmem:$0x1CB40] =	vst v63  }
0x51: {  	_ =	swait.ge [sflag:s22], $0x2000  }
0x52: {  	[sflag:s22] =	ssyncset.done $0x0  }
0x53: {  	s4 =	simm.s32 $0x13E40;
	[sflag:s22] =	ssyncadd.s32 $0xFFFFE000  }
0x54: {  	[tilespmem:s19], [sflag:$0x1] =	stream.indirect.gather [spmem:s2], $0x40, s4, s23, $0xb8;
	[tilespmem:$0x1CB40] =	vst v63  }
0x55: {  	_ =	swait.ge [sflag:s28], $0x2000  }
0x56: {  	[sflag:s28] =	ssyncset.done $0x0  }
0x57: {  	s0 =	simm.s32 $0xFFFED800;
	s1 =	simm.s32 $0x13F40;
	[sflag:s28] =	ssyncadd.s32 $0xFFFFE000  }
.LBB2_4:
0x58: {  	[tilespmem:s25], [sflag:$0x2] =	stream.indirect.gather [spmem:s2], $0x40, s1, s23, $0xb8;
	[tilespmem:$0x1CB40] =	vst v63  }
0x59: {  	s1 =	smov.u32 s0  }
0x5a: {  	p1 =	sne.s32 s0, $0xFFFFF800;
	s0 =	sadd.s32 $0x800, s0;
	_ =	swait.ge [sflag:s21], $0x2000  }
0x5b: {  	s1 =	sshra.s32 s1, $0x2;
	[sflag:s21] =	ssyncset.done $0x0  }
0x5c: {  	s4 =	sadd.s32 $0x188C0, s1;
	[sflag:s21] =	ssyncadd.s32 $0xFFFFE000  }
0x5d: {  	[spmem:s3] =	stream.indirect.scatter.add.f32 [tilespmem:s19], [sflag:$0x3], $0x40, s4, s23, $0xb8;
	[tilespmem:$0x1CB40] =	vst v63  }
0x5e: {  	_ =	swait.ge [sflag:s26], $0x2000  }
0x5f: {  	[sflag:s26] =	ssyncset.done $0x0  }
0x60: {  	s4 =	sadd.s32 $0x189C0, s1;
	[sflag:s26] =	ssyncadd.s32 $0xFFFFE000  }
0x61: {  	[spmem:s3] =	stream.indirect.scatter.add.f32 [tilespmem:s25], [sflag:$0x4], $0x40, s4, s23, $0xb8;
	[tilespmem:$0x1CB40] =	vst v63  }
0x62: {  	_ =	swait.ge [sflag:s22], $0x2000  }
0x63: {  	[sflag:s22] =	ssyncset.done $0x0  }
.Ltmp1:
0x64: {  	s4 =	sadd.s32 $0x18A40, s1;
	[sflag:s22] =	ssyncadd.s32 $0xFFFFE000;
	(pc) =	sbr.rel @p1 .LBB2_4-.Ltmp1, $4  }
0x65: {  	[tilespmem:s19], [sflag:$0x1] =	stream.indirect.gather [spmem:s2], $0x40, s4, s23, $0xb8;
	[tilespmem:$0x1CB40] =	vst v63  }
0x66: {  	_ =	swait.ge [sflag:s28], $0x2000  }
0x67: {  	[sflag:s28] =	ssyncset.done $0x0  }
0x68: {  	s1 =	sadd.s32 $0x18B40, s1;
	[sflag:s28] =	ssyncadd.s32 $0xFFFFE000  }
0x69: {  	[tilespmem:s25], [sflag:$0x2] =	stream.indirect.gather [spmem:s2], $0x40, s1, s23, $0xb8;
	[tilespmem:$0x1CB40] =	vst v63  }
0x6a: {  	_ =	swait.ge [sflag:s21], $0x2000  }
0x6b: {  	[sflag:s21] =	ssyncset.done $0x0  }
0x6c: {  	[sflag:s21] =	ssyncadd.s32 $0xFFFFE000  }
0x6d: {  	[spmem:s3] =	stream.indirect.scatter.add.f32 [tilespmem:s19], [sflag:$0x3], $0x40, s29, s23, $0xb8;
	[tilespmem:$0x1CB40] =	vst v63  }
0x6e: {  	_ =	swait.ge [sflag:s26], $0x2000  }
0x6f: {  	[sflag:s26] =	ssyncset.done $0x0  }
0x70: {  	[sflag:s26] =	ssyncadd.s32 $0xFFFFE000  }
0x71: {  	[spmem:s3] =	stream.indirect.scatter.add.f32 [tilespmem:s25], [sflag:$0x4], $0x40, s30, s23, $0xb8;
	[tilespmem:$0x1CB40] =	vst v63  }
0x72: {  	_ =	swait.ge [sflag:s22], $0x2000  }
0x73: {  	s0 =	simm.s32 @!p0 $0x80;
	[sflag:s22] =	ssyncset.done $0x0  }
0x74: {  	s1 =	simm.s32 @!p0 $0x18A40;
	s4 =	simm.s32 @!p0 $0x18B40;
	[sflag:s22] =	ssyncadd.s32 $0xFFFFE000  }
0x75: {  	[tilespmem:s4], [sflag:$0x1] =	stream.indirect.gather @!p0 [spmem:s2], $0x40, s1, s0, $0xb8;
	[tilespmem:$0x1CB40] =	vst v63  }
0x76: {  	s1 =	simm.s32 @!p0 $0x4  }
0x77: {  	_ =	swait.ge @!p0 [sflag:s1], $0x2000  }
0x78: {  	[sflag:s1] =	ssyncset.done @!p0 $0x0  }
0x79: {  	[sflag:s1] =	ssyncadd.s32 @!p0 $0xFFFFE000;
	s1 =	simm.s32 @!p0 $0x1  }
0x7a: {  	_ =	swait.ge @!p0 [sflag:s1], $0x2000  }
0x7b: {  	[sflag:s1] =	ssyncset.done @!p0 $0x0  }
0x7c: {  	[sflag:s1] =	ssyncadd.s32 @!p0 $0xFFFFE000;
	s1 =	simm.s32 @!p0 $0x18AC0  }
0x7d: {  	[spmem:s3] =	stream.indirect.scatter.add.f32 @!p0 [tilespmem:s4], [sflag:$0x5], $0x40, s1, s0, $0xb8;
	[tilespmem:$0x1CB40] =	vst v63  }
0x7e: {  	s0 =	simm.s32 @!p0 $0x5  }
0x7f: {  	s0 =	simm.s32 @p0 $0x4  }
0x80: {  	_ =	swait.ge [sflag:s0], $0x2000  }
0x81: {  	s31 =	sadd.s32 $0x1, s31;
	[sflag:s0] =	ssyncset.done $0x0  }
0x82: {  	p1 =	sne.s32 s31, s14;
	s1 =	sor.u32 $0x1C05, s15;
	[sflag:s0] =	ssyncadd.s32 $0xFFFFE000  }
.Ltmp2:
0x83: {  	s4 =	sshrl.u32 s8, $0x3;
	[bflag:$0x0] =	sbarrier.arrive $0xFFFF;
	(pc) =	sbr.rel @p1 .LBB2_1-.Ltmp2, $4  }
0x84: {  	[hbm:s13], [sflag:s1] =	dma.local [spmem:s4], $0x1400  }
0x85: {  	_ =	swait.ge [sflag:s20], $0x1400  }
0x86: {  	[sflag:s20] =	ssyncset.done $0x0  }
0x87: {  	[sflag:s20] =	ssyncadd.s32 $0xFFFFEC00  }
0x88: {  	_ =	sfence.sel $0x180000  }
0x89: {  	[bflag:$0x0] =	sbarrier.arrive $0xFFFF  }
0x8a: {  	_ =	strace $0x9000004A  }
0x8b: {  	s0 =	stileid.u32;
	[bflag:$0x2] =	sbarrier.arrive $0xFFFF  }
0x8c: {  	p0 =	sne.s32 s0, $0x0;
	s0 =	rddreg [dreg:$0x4]  }
0x8d: {  	s0 =	sadd.s32 @!p0 $0x100000, s0  }
0x8e: {  	[sflag:s0] =	ssyncadd.tile.s32 @!p0 $0x1;
	_ =	shalt  }
.Lfunc_end2:
_tile_overlayer_lowered:
.L_overlay_start_2:
0x8f: {  	(tag) =	ssettag $0x2  }
0x90: {  	s0 =	rddreg [dreg:$0x0];
	s2 =	stileid.u32  }
0x91: {  	s1 =	rddreg [dreg:$0x1];
	p0 =	sne.s32 s2, $0x0  }
0x92: {  	s3 =	rddreg [dreg:$0x2];
	[bflag:$0x3] =	sbarrier.arrive $0xFFFF;
	s2 =	simm.s32 @!p0 $0x1C05  }
0x93: {  	[timem:s3], [sflag:s2] =	dma.local @!p0 [hbm:s0], s1  }
0x94: {  	s0 =	simm.s32 @!p0 $0x5  }
0x95: {  	_ =	swait.ge @!p0 [sflag:s0], s1  }
0x96: {  	s1 =	ssub.s32 @!p0 $0x0, s1;
	[sflag:s0] =	ssyncset.done @!p0 $0x0  }
0x97: {  	[sflag:s0] =	ssyncadd.s32 @!p0 s1  }
0x98: {  	[bflag:$0x3] =	sbarrier.arrive $0xFFFF  }
0x99: {  	_ =	shalt  }

// kernel: kernel.14.cloned.1.call-start
scs
__scs_entry_jumppad:
0x0: {  	(pc) =	sbr.rel $0x88, $3  }
0x1: {  	(tag) =	ssettag $0x0;
	lr =	simm.s32 $0x1  }
0x2: {  	[smem:$0x3F99] =	sst lr;
	_ =	strace $0xD0000000  }
0x3: {  	_ = 	snop  }
0x4: {  	_ = 	snop  }
0x5: {  	_ = 	snop  }
0x6: {  	_ = 	snop  }
0x7: {  	_ = 	snop  }
__scs_overlays_trampoline_lowered:
0x8: {  	[smem:$0x3FA8] =	sst s0  }
0x9: {  	[smem:$0x3FA9] =	sst s1  }
0xa: {  	[smem:$0x3FAA] =	sst s2  }
0xb: {  	[smem:$0x3FAB] =	sst s3  }
0xc: {  	[smem:$0x3FAC] =	sst s4  }
0xd: {  	[smem:$0x3FAD] =	sst s5  }
0xe: {  	[smem:$0x3FAE] =	sst s6  }
0xf: {  	[smem:$0x3FAF] =	sst s7  }
0x10: {  	[smem:$0x3FB0] =	sst s8  }
0x11: {  	[smem:$0x3FB1] =	sst s9;
	s0 =	simm.s32 @!p0 $0x0  }
0x12: {  	s1 =	sld [smem:$0x3F97];
	s0 =	simm.s32 @p0 $0x1  }
0x13: {  	[smem:$0x3FB2] =	sst s0;
	s0 =	simm.s32 @!p1 $0x0  }
0x14: {  	s2 =	sld [smem:$0x3F96];
	s0 =	simm.s32 @p1 $0x1  }
0x15: {  	[smem:$0x3FB3] =	sst s0;
	s0 =	simm.s32 @!p2 $0x0  }
0x16: {  	s3 =	sld [smem:$0x3FDB];
	s0 =	simm.s32 @p2 $0x1  }
0x17: {  	s4 =	simm.s32 $0x1BF5;
	[smem:$0x3FB5] =	sst s0  }
0x18: {  	s0 =	sld [smem:$0x3F98];
	_ =	swait.ge [sflag:s4], $0x0  }
0x19: {  	s7 =	sld [smem:$0x3F99]  }
0x1a: {  	s8 =	sadd.s32 $0xFFFFE003, lr  }
0x1b: {  	s9 =	sadd.s32 $0xFFFFFEF7, lr;
	s5 =	simm.s32 $0xFFFFFFFF;
	p2 =	slt.u32 s8, $0xFFFFF086  }
0x1c: {  	p1 =	slt.u32 s9, $0xF7A;
	s5 =	simm.s32 @!p2 $0x0  }
0x1d: {  	s5 =	simm.s32 @p1 $0x1;
	p0 =	seq.s32 s7, s2  }
0x1e: {  	s7 =	smul.u32 @!p0 $0xF7A, s2;
	p2 =	seq.s32 @!p0 s5, $0x0  }
0x1f: {  	s9 =	smul.u32 $0xF7A, s1;
	s8 =	simm.s32 @!p0 $0x1BF5;
	p2 =	por !p2, p0  }
0x20: {  	[sflag:s8] =	ssyncset.s32 @!p0 $0xFFFFF086;
	s6 =	sadd.s32 @!p0 s3, s7;
	s7 =	simm.s32 @!p0 $0x108  }
0x21: {  	s3 =	sadd.s32 s3, s9;
	s6 =	sadd.s32 @!p0 $0x88, s6;
	s7 =	simm.s32 @p2 $0x1082  }
0x22: {  	[simem:s7], [sflag:s8] =	dma.local @!p0 [hbm:s6], $0xF7A  }
0x23: {  	s9 =	sor.u32 $0xD0000000, s2;
	s6 =	simm.s32 $0x108;
	_ =	swait.ge @!p0 [sflag:s8], $0x0  }
0x24: {  	s3 =	sadd.s32 $0x88, s3;
	s6 =	simm.s32 @!p1 $0x1082;
	[sflag:s4] =	ssyncset.s32 $0xFFFFF086  }
0x25: {  	[simem:s6], [sflag:s4] =	dma.local [hbm:s3], $0xF7A  }
0x26: {  	[smem:$0x3F99] =	sst s1;
	(tag) =	ssettag s2;
	_ =	strace s9  }
0x27: {  	s1 =	sld [smem:$0x3FA9]  }
0x28: {  	s2 =	sld [smem:$0x3FAA]  }
0x29: {  	s4 =	sld [smem:$0x3FAC]  }
0x2a: {  	p0 =	seq.s32 s5, $0x0;
	s5 =	sld [smem:$0x3FAD]  }
0x2b: {  	s6 =	sld [smem:$0x3FAE]  }
0x2c: {  	s7 =	sld [smem:$0x3FAF]  }
0x2d: {  	s3 =	simm.s32 $0x108;
	s8 =	sld [smem:$0x3FB0]  }
0x2e: {  	s3 =	simm.s32 @!p0 $0x1082;
	s9 =	sld [smem:$0x3FB1]  }
0x2f: {  	lr =	sadd.s32 s0, s3;
	s0 =	sld [smem:$0x3FA8]  }
0x30: {  	s3 =	sld [smem:$0x3FAB]  }
0x31: {  	[smem:$0x3FB4] =	sst s10  }
0x32: {  	s10 =	sld [smem:$0x3FB2];
	_ =	sdelay $0x3  }
0x33: {  	p0 =	seq.s32 s10, $0x1;
	s10 =	sld [smem:$0x3FB4];
	_ =	sdelay $0x3  }
0x34: {  	[smem:$0x3FB4] =	sst s10  }
0x35: {  	s10 =	sld [smem:$0x3FB3];
	_ =	sdelay $0x3  }
0x36: {  	p1 =	seq.s32 s10, $0x1;
	s10 =	sld [smem:$0x3FB4];
	_ =	sdelay $0x3  }
0x37: {  	[smem:$0x3FB4] =	sst s10  }
0x38: {  	s10 =	sld [smem:$0x3FB5]  }
0x39: {  	_ = 	snop;
	(pc) =	sbr.ind lr, $3  }
0x3a: {  	_ = 	snop  }
0x3b: {  	_ = 	snop  }
0x3c: {  	p2 =	seq.s32 s10, $0x1;
	s10 =	sld [smem:$0x3FB4]  }
0x3d: {  	_ =	shalt  }
0x3e: {  	_ =	shalt  }
0x3f: {  	_ =	shalt  }
0x40: {  	_ =	shalt  }
0x41: {  	_ =	shalt  }
0x42: {  	_ =	shalt  }
0x43: {  	_ =	shalt  }
0x44: {  	_ =	shalt  }
0x45: {  	_ =	shalt  }
0x46: {  	_ =	shalt  }
0x47: {  	_ =	shalt  }
0x48: {  	_ =	shalt  }
0x49: {  	_ =	shalt  }
0x4a: {  	_ =	shalt  }
0x4b: {  	_ =	shalt  }
0x4c: {  	_ =	shalt  }
0x4d: {  	_ =	shalt  }
0x4e: {  	_ =	shalt  }
0x4f: {  	_ =	shalt  }
0x50: {  	_ =	shalt  }
0x51: {  	_ =	shalt  }
0x52: {  	_ =	shalt  }
0x53: {  	_ =	shalt  }
0x54: {  	_ =	shalt  }
0x55: {  	_ =	shalt  }
0x56: {  	_ =	shalt  }
0x57: {  	_ =	shalt  }
0x58: {  	_ =	shalt  }
0x59: {  	_ =	shalt  }
0x5a: {  	_ =	shalt  }
0x5b: {  	_ =	shalt  }
0x5c: {  	_ =	shalt  }
0x5d: {  	_ =	shalt  }
0x5e: {  	_ =	shalt  }
0x5f: {  	_ =	shalt  }
0x60: {  	_ =	shalt  }
0x61: {  	_ =	shalt  }
0x62: {  	_ =	shalt  }
0x63: {  	_ =	shalt  }
0x64: {  	_ =	shalt  }
0x65: {  	_ =	shalt  }
0x66: {  	_ =	shalt  }
0x67: {  	_ =	shalt  }
0x68: {  	_ =	shalt  }
0x69: {  	_ =	shalt  }
0x6a: {  	_ =	shalt  }
0x6b: {  	_ =	shalt  }
0x6c: {  	_ =	shalt  }
0x6d: {  	_ =	shalt  }
0x6e: {  	_ =	shalt  }
0x6f: {  	_ =	shalt  }
0x70: {  	_ =	shalt  }
0x71: {  	_ =	shalt  }
0x72: {  	_ =	shalt  }
0x73: {  	_ =	shalt  }
0x74: {  	_ =	shalt  }
0x75: {  	_ =	shalt  }
0x76: {  	_ =	shalt  }
0x77: {  	_ =	shalt  }
0x78: {  	_ =	shalt  }
0x79: {  	_ =	shalt  }
0x7a: {  	_ =	shalt  }
0x7b: {  	_ =	shalt  }
0x7c: {  	_ =	shalt  }
0x7d: {  	_ =	shalt  }
0x7e: {  	_ =	shalt  }
0x7f: {  	_ =	shalt  }
0x80: {  	_ =	shalt  }
0x81: {  	_ =	shalt  }
0x82: {  	_ =	shalt  }
0x83: {  	_ =	shalt  }
0x84: {  	_ =	shalt  }
0x85: {  	_ =	shalt  }
0x86: {  	_ =	shalt  }
0x87: {  	_ =	shalt  }
.Lfunc_end0:
.L_simem_size_0:
called_computation.2_lowered:
.L_overlay_start_0:
0x88: {  	s2 =	sld [smem:$0x3FD9]  }
0x89: {  	s3 =	sld [smem:$0x3FFE];
	_ =	sdelay $0x1  }
0x8a: {  	s1 =	srdreg.scid  }
0x8b: {  	s0 =	sand.u32 $0x1, s1  }
0x8c: {  	s17 =	sshll.u32 s0, $0xA;
	s2 =	sadd.s32 s3, s2  }
0x8d: {  	s2 =	sadd.s32 s2, s17  }
0x8e: {  	[smem:$0x3FC0] =	sst s2  }
0x8f: {  	_ = 	snop  }
0x90: {  	s2 =	sld [smem:$0x3FC8];
	(tm) =	ssettm $0x1  }
0x91: {  	s18 =	sld [smem:$0x3FFB];
	_ =	sdelay $0x3  }
0x92: {  	_ =	strace s18  }
0x93: {  	s3 =	sld [smem:$0x3FFC];
	_ =	sdelay $0x3  }
0x94: {  	_ =	strace s3  }
0x95: {  	s3 =	sld [smem:$0x3FFD];
	_ =	sdelay $0x3  }
0x96: {  	_ =	strace s3  }
0x97: {  	_ =	strace $0x8FFFFFFF  }
0x98: {  	s19 =	sld [smem:$0x3FDB];
	_ =	sdelay $0x1  }
0x99: {  	s4 =	simm.s32 $_scs_section_size  }
0x9a: {  	s5 =	simm.s32 $_size__tile_overlayer_lowered;
	s6 =	simm.s32 $_tile_overlayer_lowered  }
0x9b: {  	s22 =	simm.s32 $0x1BFF;
	s21 =	sshll.u32 s6, $0x1;
	s3 =	sadd.s32 s4, s19  }
0x9c: {  	s7 =	simm.s32 $0x0;
	s20 =	sshll.u32 s5, $0x1;
	s5 =	sadd.s32 s21, s3  }
0x9d: {  	[timem:s7], [sflag:s22] =	dma.local [hbm:s5], s20  }
0x9e: {  	_ =	swait.ge [sflag:s22], s20  }
0x9f: {  	s4 =	ssub.s32 $0x0, s20;
	[sflag:s22] =	ssyncset.done $0x0  }
0xa0: {  	[sflag:s22] =	ssyncadd.s32 s4;
	_ =	sdelay $0x1  }
0xa1: {  	s23 =	simm.s32 $0x1B8B  }
0xa2: {  	_ =	swait.ge [sflag:s23], $0x1  }
0xa3: {  	[sflag:s23] =	ssyncset.done $0x0  }
0xa4: {  	s25 =	simm.s32 $0x1B8E;
	s24 =	sld [smem:$0x3FFE];
	[sflag:s23] =	ssyncadd.s32 $0xFFFFFFFF  }
0xa5: {  	s26 =	simm.s32 $execute0_lowered;
	[smem:$0x3FD2] =	sst s25  }
0xa6: {  	s5 =	sshll.u32 s26, $0x1;
	_ =	strace $0x8000004C;
	[dreg:$0x1] =	wrdreg $0xFFFFFFFF  }
0xa7: {  	s28 =	simm.s32 $_size_execute0_lowered;
	s3 =	sadd.s32 s3, s5;
	[dreg:$0x0] =	wrdreg $0x0  }
0xa8: {  	s5 =	sshll.u32 s28, $0x1;
	[dreg:$0x2] =	wrdreg s3  }
0xa9: {  	[dreg:$0x3] =	wrdreg s5  }
0xaa: {  	[dreg:$0x4] =	wrdreg $0xC0  }
0xab: {  	_ =	task [dreg:s7], $0x5FFFF  }
0xac: {  	[dreg:$0x1] =	wrdreg $0xFFFFFFFF  }
0xad: {  	[dreg:$0x0] =	wrdreg $0x60  }
0xae: {  	[dreg:$0x2] =	wrdreg s24  }
0xaf: {  	[dreg:$0x3] =	wrdreg s2  }
0xb0: {  	[dreg:$0x4] =	wrdreg $0xA0000  }
0xb1: {  	[dreg:$0x5] =	wrdreg $0x0  }
0xb2: {  	[dreg:$0x6] =	wrdreg $0x9  }
0xb3: {  	_ =	task.clear_ibuf [dreg:s7], $0x7FFFF;
	_ =	strace $0x9000004C  }
0xb4: {  	s29 =	simm.s32 $0x9;
	_ =	strace $0x8000004E  }
0xb5: {  	_ =	swait.ge [sflag:s29], $0x1  }
0xb6: {  	[sflag:s29] =	ssyncadd.s32 $0xFFFFFFFF  }
0xb7: {  	_ =	strace $0x9000004E  }
0xb8: {  	_ =	sfence  }
0xb9: {  	s30 =	sld [smem:$0x0];
	_ =	sdelay $0x2  }
0xba: {  	s31 =	sshll.u32 s1, $0xD;
	s1 =	sshrl.u32 s1, $0x2  }
0xbb: {  	s3 =	sand.u32 $0x4000, s31;
	s1 =	sadd.s32 s1, s30  }
0xbc: {  	s0 =	sor.u32 s3, s0;
	s1 =	sshll.u32 s1, $0x11  }
0xbd: {  	s0 =	sor.u32 s1, s0  }
0xbe: {  	s0 =	sadd.s32 $0x8F2B, s0  }
0xbf: {  	[sflag:s0] =	ssyncadd.remote.s32 $0x1  }
0xc0: {  	_ =	sfence.sel $0xFFFF  }
0xc1: {  	[dreg:$0x0] =	wrdreg $0xFFFFFFFF;
	(pc) =	sbr.abs _section_cstart, $3  }
0xc2: {  	[dreg:$0x1] =	wrdreg $0xFFFFFFFF  }
0xc3: {  	_ =	task.clear_ibuf [dreg:s7], $0x2FFFF;
	_ =	strace $0x9FFFFFFF  }
0xc4: {  	(tm) =	ssettm $0x7FFFFFFF  }
0xc5: {  	_ =	shalt  }
tec
execute0_lowered:
.L_overlay_start_1:
0x0: {  	(tag) =	ssettag $0x1  }
0x1: {  	s0 =	rddreg [dreg:$0x0]  }
0x2: {  	s1 =	rddreg [dreg:$0x1]  }
0x3: {  	s2 =	rddreg [dreg:$0x2]  }
0x4: {  	s3 =	rddreg [dreg:$0x3]  }
0x5: {  	s4 =	stileid.u32;
	s5 =	srdreg.scid;
	s6 =	simm.s32 $0x0  }
0x6: {  	s16 =	simm.s32 $0x13C40;
	s19 =	simm.s32 $0x18B40;
	s20 =	simm.s32 $0x5  }
0x7: {  	s28 =	simm.s32 $0x4;
	s29 =	simm.s32 $0x188C0;
	s7 =	smul.u32 $0x9C40, s4  }
0x8: {  	s30 =	simm.s32 $0x189C0;
	s31 =	simm.s32 $0x0;
	s8 =	smul.u32 $0xA000, s4  }
0x9: {  	s5 =	sand.u32 $0x1, s5;
	s9 =	sshll.u32 s4, $0x1;
	s23 =	smul.u32 $0x28000, s4  }
0xa: {  	[smem:$0x7FF] =	sst s6;
	s21 =	smul.u32 $0xA0000, s5;
	s9 =	sor.u32 s5, s9  }
0xb: {  	p0 =	slt.u32 s4, $0x2;
	s15 =	sshll.u32 s4, $0x6;
	s11 =	smul.u32 $0x4E, s9  }
0xc: {  	_ =	strace $0x8000004D;
	s5 =	ssub.s32 $0x2, s5;
	s12 =	smul.u32 $0x4F, s9  }
0xd: {  	s17 =	sor.u32 $0x1C03, s15;
	s10 =	sshrl.u32 s7, $0x3;
	s9 =	smul.u32 $0x4F00, s9  }
0xe: {  	s22 =	sshrl.u32 s5, $0x1;
	s26 =	sshrl.u32 s23, $0x2;
	s18 =	sadd.s32 s7, s2  }
0xf: {  	s23 =	simm.s32 $0x80;
	s10 =	sadd.s32 s10, s0;
	s6 =	sadd.s32 s8, s21  }
0x10: {  	s14 =	ssub.s32 s5, s22;
	s8 =	sadd.s32 s8, s3;
	s18 =	sshrl.u32 s18, $0x3  }
0x11: {  	s21 =	simm.s32 $0x1;
	s22 =	simm.s32 $0x3;
	s6 =	sshrl.u32 s6, $0x3  }
0x12: {  	s11 =	sadd.s32 $0x4, s11;
	s9 =	sshrl.u32 s9, $0x3;
	s7 =	sadd.s32 $0x1600, s10  }
0x13: {  	s14 =	smax.u32 s14, $0x1;
	s0 =	sadd.s32 s6, s0;
	s11 =	smov.u32 @p0 s12  }
0x14: {  	s25 =	sadd.s32 s1, s9;
	p0 =	sgt.u32 s4, $0x1;
	s11 =	sshll.u32 s11, $0x5  }
0x15: {  	s6 =	sadd.s32 $0x9C0, s25;
	s13 =	sadd.s32 $0x15000, s0;
	s24 =	sand.u32 $0x1FFFFFE0, s11  }
0x16: {  	s25 =	simm.s32 $0x1AB40;
	s5 =	sadd.s32 s1, s24;
	s1 =	sadd.s32 s26, s3  }
0x17: {  	s24 =	simm.s32 $0x13D40;
	s26 =	simm.s32 $0x2;
	s9 =	sadd.s32 $0x2000, s1  }
0x18: {  	v0 =	vimm.f32 $0.0e+00;
	s10 =	sadd.s32 $0x4000, s1;
	s11 =	sadd.s32 $0x6000, s1;
	s12 =	sadd.s32 $0x8000, s1  }
.LBB2_1:
0x19: {  	s0 =	simm.s32 $0x0  }
0x1a: {  	[tilespmem:s16], [sflag:$0x1] =	stream.linear.gather [hbm4b:s5+s0], $0x4E00, $0x38;
	[tilespmem:$0x1CB40] =	vst v63  }
0x1b: {  	s1 =	simm.s32 @!p0 $0x18A40;
	s0 =	simm.s32 @!p0 $0x0  }
0x1c: {  	[tilespmem:s1], [sflag:$0x2] =	stream.linear.gather @!p0 [hbm4b:s6+s0], $0x100, $0x38;
	[tilespmem:$0x1CB40] =	vst v63  }
0x1d: {  	s1 =	simm.s32 $0x100;
	s0 =	simm.s32 $0x0  }
0x1e: {  	[spmem:s18], [sflag:s17] =	dma.local [hbm:s7], $0x1388  }
.LBB2_2:
0x1f: {  	p1 =	sne.s32 s1, $0x7F00;
	[tilespmem:s0+$0x18B70] =	vst v0;
	s4 =	smov.u32 s1;
	s1 =	sadd.s32 $0x100, s1  }
.Ltmp0:
0x20: {  	[tilespmem:s0+$0x18B60] =	vst v0;
	(pc) =	sbr.rel @p1 .LBB2_2-.Ltmp0, $3  }
0x21: {  	[tilespmem:s0+$0x18B40] =	vst v0  }
0x22: {  	[tilespmem:s0+$0x18B50] =	vst v0;
	_ =	sdelay $0x1  }
0x23: {  	s0 =	sshra.s32 s4, $0x2  }
0x24: {  	[tilespmem:s0+$0x18B70] =	vst v0  }
0x25: {  	[tilespmem:s0+$0x18B60] =	vst v0  }
0x26: {  	[tilespmem:s0+$0x18B40] =	vst v0  }
0x27: {  	[tilespmem:s0+$0x18B50] =	vst v0  }
0x28: {  	[spmem:s8] =	stream.linear.scatter [tilespmem:s19], [sflag:$0x5], $0x2000, $0x38;
	[tilespmem:$0x1CB40] =	vst v63  }
0x29: {  	_ =	swait.ge [sflag:s20], $0x2000  }
0x2a: {  	[sflag:s20] =	ssyncset.done $0x0  }
0x2b: {  	[sflag:s20] =	ssyncadd.s32 $0xFFFFE000  }
0x2c: {  	[spmem:s9] =	stream.linear.scatter [tilespmem:s19], [sflag:$0x5], $0x2000, $0x38;
	[tilespmem:$0x1CB40] =	vst v63  }
0x2d: {  	_ =	swait.ge [sflag:s20], $0x2000  }
0x2e: {  	[sflag:s20] =	ssyncset.done $0x0  }
0x2f: {  	[sflag:s20] =	ssyncadd.s32 $0xFFFFE000  }
0x30: {  	[spmem:s10] =	stream.linear.scatter [tilespmem:s19], [sflag:$0x5], $0x2000, $0x38;
	[tilespmem:$0x1CB40] =	vst v63  }
0x31: {  	_ =	swait.ge [sflag:s20], $0x2000  }
0x32: {  	[sflag:s20] =	ssyncset.done $0x0  }
0x33: {  	[sflag:s20] =	ssyncadd.s32 $0xFFFFE000  }
0x34: {  	[spmem:s11] =	stream.linear.scatter [tilespmem:s19], [sflag:$0x5], $0x2000, $0x38;
	[tilespmem:$0x1CB40] =	vst v63  }
0x35: {  	_ =	swait.ge [sflag:s20], $0x2000  }
0x36: {  	[sflag:s20] =	ssyncset.done $0x0  }
0x37: {  	[sflag:s20] =	ssyncadd.s32 $0xFFFFE000  }
0x38: {  	[spmem:s12] =	stream.linear.scatter [tilespmem:s19], [sflag:$0x5], $0x2000, $0x38;
	[tilespmem:$0x1CB40] =	vst v63  }
0x39: {  	_ =	swait.ge [sflag:s20], $0x2000  }
0x3a: {  	[sflag:s20] =	ssyncset.done $0x0  }
0x3b: {  	[sflag:s20] =	ssyncadd.s32 $0xFFFFE000  }
0x3c: {  	_ =	swait.ge [sflag:s21], $0x4E00  }
0x3d: {  	[sflag:s21] =	ssyncset.done $0x0  }
0x3e: {  	s0 =	simm.s32 @!p0 $0x2;
	[sflag:s21] =	ssyncadd.s32 $0xFFFFB200  }
0x3f: {  	_ =	swait.ge @!p0 [sflag:s0], $0x100  }
0x40: {  	[sflag:s0] =	ssyncset.done @!p0 $0x0  }
0x41: {  	[sflag:s0] =	ssyncadd.s32 @!p0 $0xFFFFFF00  }
0x42: {  	_ =	swait.ge [sflag:s22], $0x1388  }
0x43: {  	[sflag:s22] =	ssyncset.done $0x0  }
0x44: {  	[sflag:s22] =	ssyncadd.s32 $0xFFFFEC78  }
0x45: {  	[bflag:$0x0] =	sbarrier.arrive $0xFFFF  }
0x46: {  	[tilespmem:s19], [sflag:$0x1] =	stream.indirect.gather [spmem:s2], $0x40, s16, s23, $0xb8;
	[tilespmem:$0x1CB40] =	vst v63  }
0x47: {  	_ = 	snop  }
0x48: {  	[tilespmem:s25], [sflag:$0x2] =	stream.indirect.gather [spmem:s2], $0x40, s24, s23, $0xb8;
	[tilespmem:$0x1CB40] =	vst v63  }
0x49: {  	_ =	swait.ge [sflag:s21], $0x2000  }
0x4a: {  	[sflag:s21] =	ssyncset.done $0x0  }
0x4b: {  	s4 =	simm.s32 $0x13CC0;
	[sflag:s21] =	ssyncadd.s32 $0xFFFFE000  }
0x4c: {  	[spmem:s3] =	stream.indirect.scatter.add.f32 [tilespmem:s19], [sflag:$0x3], $0x40, s4, s23, $0xb8;
	[tilespmem:$0x1CB40] =	vst v63  }
0x4d: {  	_ =	swait.ge [sflag:s26], $0x2000  }
0x4e: {  	[sflag:s26] =	ssyncset.done $0x0  }
0x4f: {  	s1 =	simm.s32 $0x13DC0;
	[sflag:s26] =	ssyncadd.s32 $0xFFFFE000  }
0x50: {  	[spmem:s3] =	stream.indirect.scatter.add.f32 [tilespmem:s25], [sflag:$0x4], $0x40, s1, s23, $0xb8;
	[tilespmem:$0x1CB40] =	vst v63  }
0x51: {  	_ =	swait.ge [sflag:s22], $0x2000  }
0x52: {  	[sflag:s22] =	ssyncset.done $0x0  }
0x53: {  	s4 =	simm.s32 $0x13E40;
	[sflag:s22] =	ssyncadd.s32 $0xFFFFE000  }
0x54: {  	[tilespmem:s19], [sflag:$0x1] =	stream.indirect.gather [spmem:s2], $0x40, s4, s23, $0xb8;
	[tilespmem:$0x1CB40] =	vst v63  }
0x55: {  	_ =	swait.ge [sflag:s28], $0x2000  }
0x56: {  	[sflag:s28] =	ssyncset.done $0x0  }
0x57: {  	s0 =	simm.s32 $0xFFFED800;
	s1 =	simm.s32 $0x13F40;
	[sflag:s28] =	ssyncadd.s32 $0xFFFFE000  }
.LBB2_4:
0x58: {  	[tilespmem:s25], [sflag:$0x2] =	stream.indirect.gather [spmem:s2], $0x40, s1, s23, $0xb8;
	[tilespmem:$0x1CB40] =	vst v63  }
0x59: {  	s1 =	smov.u32 s0  }
0x5a: {  	p1 =	sne.s32 s0, $0xFFFFF800;
	s0 =	sadd.s32 $0x800, s0;
	_ =	swait.ge [sflag:s21], $0x2000  }
0x5b: {  	s1 =	sshra.s32 s1, $0x2;
	[sflag:s21] =	ssyncset.done $0x0  }
0x5c: {  	s4 =	sadd.s32 $0x188C0, s1;
	[sflag:s21] =	ssyncadd.s32 $0xFFFFE000  }
0x5d: {  	[spmem:s3] =	stream.indirect.scatter.add.f32 [tilespmem:s19], [sflag:$0x3], $0x40, s4, s23, $0xb8;
	[tilespmem:$0x1CB40] =	vst v63  }
0x5e: {  	_ =	swait.ge [sflag:s26], $0x2000  }
0x5f: {  	[sflag:s26] =	ssyncset.done $0x0  }
0x60: {  	s4 =	sadd.s32 $0x189C0, s1;
	[sflag:s26] =	ssyncadd.s32 $0xFFFFE000  }
0x61: {  	[spmem:s3] =	stream.indirect.scatter.add.f32 [tilespmem:s25], [sflag:$0x4], $0x40, s4, s23, $0xb8;
	[tilespmem:$0x1CB40] =	vst v63  }
0x62: {  	_ =	swait.ge [sflag:s22], $0x2000  }
0x63: {  	[sflag:s22] =	ssyncset.done $0x0  }
.Ltmp1:
0x64: {  	s4 =	sadd.s32 $0x18A40, s1;
	[sflag:s22] =	ssyncadd.s32 $0xFFFFE000;
	(pc) =	sbr.rel @p1 .LBB2_4-.Ltmp1, $4  }
0x65: {  	[tilespmem:s19], [sflag:$0x1] =	stream.indirect.gather [spmem:s2], $0x40, s4, s23, $0xb8;
	[tilespmem:$0x1CB40] =	vst v63  }
0x66: {  	_ =	swait.ge [sflag:s28], $0x2000  }
0x67: {  	[sflag:s28] =	ssyncset.done $0x0  }
0x68: {  	s1 =	sadd.s32 $0x18B40, s1;
	[sflag:s28] =	ssyncadd.s32 $0xFFFFE000  }
0x69: {  	[tilespmem:s25], [sflag:$0x2] =	stream.indirect.gather [spmem:s2], $0x40, s1, s23, $0xb8;
	[tilespmem:$0x1CB40] =	vst v63  }
0x6a: {  	_ =	swait.ge [sflag:s21], $0x2000  }
0x6b: {  	[sflag:s21] =	ssyncset.done $0x0  }
0x6c: {  	[sflag:s21] =	ssyncadd.s32 $0xFFFFE000  }
0x6d: {  	[spmem:s3] =	stream.indirect.scatter.add.f32 [tilespmem:s19], [sflag:$0x3], $0x40, s29, s23, $0xb8;
	[tilespmem:$0x1CB40] =	vst v63  }
0x6e: {  	_ =	swait.ge [sflag:s26], $0x2000  }
0x6f: {  	[sflag:s26] =	ssyncset.done $0x0  }
0x70: {  	[sflag:s26] =	ssyncadd.s32 $0xFFFFE000  }
0x71: {  	[spmem:s3] =	stream.indirect.scatter.add.f32 [tilespmem:s25], [sflag:$0x4], $0x40, s30, s23, $0xb8;
	[tilespmem:$0x1CB40] =	vst v63  }
0x72: {  	_ =	swait.ge [sflag:s22], $0x2000  }
0x73: {  	s0 =	simm.s32 @!p0 $0x80;
	[sflag:s22] =	ssyncset.done $0x0  }
0x74: {  	s1 =	simm.s32 @!p0 $0x18A40;
	s4 =	simm.s32 @!p0 $0x18B40;
	[sflag:s22] =	ssyncadd.s32 $0xFFFFE000  }
0x75: {  	[tilespmem:s4], [sflag:$0x1] =	stream.indirect.gather @!p0 [spmem:s2], $0x40, s1, s0, $0xb8;
	[tilespmem:$0x1CB40] =	vst v63  }
0x76: {  	s1 =	simm.s32 @!p0 $0x4  }
0x77: {  	_ =	swait.ge @!p0 [sflag:s1], $0x2000  }
0x78: {  	[sflag:s1] =	ssyncset.done @!p0 $0x0  }
0x79: {  	[sflag:s1] =	ssyncadd.s32 @!p0 $0xFFFFE000;
	s1 =	simm.s32 @!p0 $0x1  }
0x7a: {  	_ =	swait.ge @!p0 [sflag:s1], $0x2000  }
0x7b: {  	[sflag:s1] =	ssyncset.done @!p0 $0x0  }
0x7c: {  	[sflag:s1] =	ssyncadd.s32 @!p0 $0xFFFFE000;
	s1 =	simm.s32 @!p0 $0x18AC0  }
0x7d: {  	[spmem:s3] =	stream.indirect.scatter.add.f32 @!p0 [tilespmem:s4], [sflag:$0x5], $0x40, s1, s0, $0xb8;
	[tilespmem:$0x1CB40] =	vst v63  }
0x7e: {  	s0 =	simm.s32 @!p0 $0x5  }
0x7f: {  	s0 =	simm.s32 @p0 $0x4  }
0x80: {  	_ =	swait.ge [sflag:s0], $0x2000  }
0x81: {  	s31 =	sadd.s32 $0x1, s31;
	[sflag:s0] =	ssyncset.done $0x0  }
0x82: {  	p1 =	sne.s32 s31, s14;
	s1 =	sor.u32 $0x1C05, s15;
	[sflag:s0] =	ssyncadd.s32 $0xFFFFE000  }
.Ltmp2:
0x83: {  	s4 =	sshrl.u32 s8, $0x3;
	[bflag:$0x0] =	sbarrier.arrive $0xFFFF;
	(pc) =	sbr.rel @p1 .LBB2_1-.Ltmp2, $4  }
0x84: {  	[hbm:s13], [sflag:s1] =	dma.local [spmem:s4], $0x1400  }
0x85: {  	_ =	swait.ge [sflag:s20], $0x1400  }
0x86: {  	[sflag:s20] =	ssyncset.done $0x0  }
0x87: {  	[sflag:s20] =	ssyncadd.s32 $0xFFFFEC00  }
0x88: {  	_ =	sfence.sel $0x180000  }
0x89: {  	[bflag:$0x0] =	sbarrier.arrive $0xFFFF  }
0x8a: {  	_ =	strace $0x9000004D  }
0x8b: {  	s0 =	stileid.u32;
	[bflag:$0x2] =	sbarrier.arrive $0xFFFF  }
0x8c: {  	p0 =	sne.s32 s0, $0x0;
	s0 =	rddreg [dreg:$0x4]  }
0x8d: {  	s0 =	sadd.s32 @!p0 $0x100000, s0  }
0x8e: {  	[sflag:s0] =	ssyncadd.tile.s32 @!p0 $0x1;
	_ =	shalt  }
.Lfunc_end2:
_tile_overlayer_lowered:
.L_overlay_start_2:
0x8f: {  	(tag) =	ssettag $0x2  }
0x90: {  	s0 =	rddreg [dreg:$0x0];
	s2 =	stileid.u32  }
0x91: {  	s1 =	rddreg [dreg:$0x1];
	p0 =	sne.s32 s2, $0x0  }
0x92: {  	s3 =	rddreg [dreg:$0x2];
	[bflag:$0x3] =	sbarrier.arrive $0xFFFF;
	s2 =	simm.s32 @!p0 $0x1C05  }
0x93: {  	[timem:s3], [sflag:s2] =	dma.local @!p0 [hbm:s0], s1  }
0x94: {  	s0 =	simm.s32 @!p0 $0x5  }
0x95: {  	_ =	swait.ge @!p0 [sflag:s0], s1  }
0x96: {  	s1 =	ssub.s32 @!p0 $0x0, s1;
	[sflag:s0] =	ssyncset.done @!p0 $0x0  }
0x97: {  	[sflag:s0] =	ssyncadd.s32 @!p0 s1  }
0x98: {  	[bflag:$0x3] =	sbarrier.arrive $0xFFFF  }
0x99: {  	_ =	shalt  }

// kernel: kernel.8.cloned.1.call-start
scs
__scs_entry_jumppad:
0x0: {  	(pc) =	sbr.rel $0x88, $3  }
0x1: {  	(tag) =	ssettag $0x0;
	lr =	simm.s32 $0x1  }
0x2: {  	[smem:$0x3F99] =	sst lr;
	_ =	strace $0xD0000000  }
0x3: {  	_ = 	snop  }
0x4: {  	_ = 	snop  }
0x5: {  	_ = 	snop  }
0x6: {  	_ = 	snop  }
0x7: {  	_ = 	snop  }
__scs_overlays_trampoline_lowered:
0x8: {  	[smem:$0x3FA8] =	sst s0  }
0x9: {  	[smem:$0x3FA9] =	sst s1  }
0xa: {  	[smem:$0x3FAA] =	sst s2  }
0xb: {  	[smem:$0x3FAB] =	sst s3  }
0xc: {  	[smem:$0x3FAC] =	sst s4  }
0xd: {  	[smem:$0x3FAD] =	sst s5  }
0xe: {  	[smem:$0x3FAE] =	sst s6  }
0xf: {  	[smem:$0x3FAF] =	sst s7  }
0x10: {  	[smem:$0x3FB0] =	sst s8  }
0x11: {  	[smem:$0x3FB1] =	sst s9;
	s0 =	simm.s32 @!p0 $0x0  }
0x12: {  	s1 =	sld [smem:$0x3F97];
	s0 =	simm.s32 @p0 $0x1  }
0x13: {  	[smem:$0x3FB2] =	sst s0;
	s0 =	simm.s32 @!p1 $0x0  }
0x14: {  	s2 =	sld [smem:$0x3F96];
	s0 =	simm.s32 @p1 $0x1  }
0x15: {  	[smem:$0x3FB3] =	sst s0;
	s0 =	simm.s32 @!p2 $0x0  }
0x16: {  	s3 =	sld [smem:$0x3FDB];
	s0 =	simm.s32 @p2 $0x1  }
0x17: {  	s4 =	simm.s32 $0x1BF5;
	[smem:$0x3FB5] =	sst s0  }
0x18: {  	s0 =	sld [smem:$0x3F98];
	_ =	swait.ge [sflag:s4], $0x0  }
0x19: {  	s7 =	sld [smem:$0x3F99]  }
0x1a: {  	s8 =	sadd.s32 $0xFFFFE003, lr  }
0x1b: {  	s9 =	sadd.s32 $0xFFFFFEF7, lr;
	s5 =	simm.s32 $0xFFFFFFFF;
	p2 =	slt.u32 s8, $0xFFFFF086  }
0x1c: {  	p1 =	slt.u32 s9, $0xF7A;
	s5 =	simm.s32 @!p2 $0x0  }
0x1d: {  	s5 =	simm.s32 @p1 $0x1;
	p0 =	seq.s32 s7, s2  }
0x1e: {  	s7 =	smul.u32 @!p0 $0xF7A, s2;
	p2 =	seq.s32 @!p0 s5, $0x0  }
0x1f: {  	s9 =	smul.u32 $0xF7A, s1;
	s8 =	simm.s32 @!p0 $0x1BF5;
	p2 =	por !p2, p0  }
0x20: {  	[sflag:s8] =	ssyncset.s32 @!p0 $0xFFFFF086;
	s6 =	sadd.s32 @!p0 s3, s7;
	s7 =	simm.s32 @!p0 $0x108  }
0x21: {  	s3 =	sadd.s32 s3, s9;
	s6 =	sadd.s32 @!p0 $0x88, s6;
	s7 =	simm.s32 @p2 $0x1082  }
0x22: {  	[simem:s7], [sflag:s8] =	dma.local @!p0 [hbm:s6], $0xF7A  }
0x23: {  	s9 =	sor.u32 $0xD0000000, s2;
	s6 =	simm.s32 $0x108;
	_ =	swait.ge @!p0 [sflag:s8], $0x0  }
0x24: {  	s3 =	sadd.s32 $0x88, s3;
	s6 =	simm.s32 @!p1 $0x1082;
	[sflag:s4] =	ssyncset.s32 $0xFFFFF086  }
0x25: {  	[simem:s6], [sflag:s4] =	dma.local [hbm:s3], $0xF7A  }
0x26: {  	[smem:$0x3F99] =	sst s1;
	(tag) =	ssettag s2;
	_ =	strace s9  }
0x27: {  	s1 =	sld [smem:$0x3FA9]  }
0x28: {  	s2 =	sld [smem:$0x3FAA]  }
0x29: {  	s4 =	sld [smem:$0x3FAC]  }
0x2a: {  	p0 =	seq.s32 s5, $0x0;
	s5 =	sld [smem:$0x3FAD]  }
0x2b: {  	s6 =	sld [smem:$0x3FAE]  }
0x2c: {  	s7 =	sld [smem:$0x3FAF]  }
0x2d: {  	s3 =	simm.s32 $0x108;
	s8 =	sld [smem:$0x3FB0]  }
0x2e: {  	s3 =	simm.s32 @!p0 $0x1082;
	s9 =	sld [smem:$0x3FB1]  }
0x2f: {  	lr =	sadd.s32 s0, s3;
	s0 =	sld [smem:$0x3FA8]  }
0x30: {  	s3 =	sld [smem:$0x3FAB]  }
0x31: {  	[smem:$0x3FB4] =	sst s10  }
0x32: {  	s10 =	sld [smem:$0x3FB2];
	_ =	sdelay $0x3  }
0x33: {  	p0 =	seq.s32 s10, $0x1;
	s10 =	sld [smem:$0x3FB4];
	_ =	sdelay $0x3  }
0x34: {  	[smem:$0x3FB4] =	sst s10  }
0x35: {  	s10 =	sld [smem:$0x3FB3];
	_ =	sdelay $0x3  }
0x36: {  	p1 =	seq.s32 s10, $0x1;
	s10 =	sld [smem:$0x3FB4];
	_ =	sdelay $0x3  }
0x37: {  	[smem:$0x3FB4] =	sst s10  }
0x38: {  	s10 =	sld [smem:$0x3FB5]  }
0x39: {  	_ = 	snop;
	(pc) =	sbr.ind lr, $3  }
0x3a: {  	_ = 	snop  }
0x3b: {  	_ = 	snop  }
0x3c: {  	p2 =	seq.s32 s10, $0x1;
	s10 =	sld [smem:$0x3FB4]  }
0x3d: {  	_ =	shalt  }
0x3e: {  	_ =	shalt  }
0x3f: {  	_ =	shalt  }
0x40: {  	_ =	shalt  }
0x41: {  	_ =	shalt  }
0x42: {  	_ =	shalt  }
0x43: {  	_ =	shalt  }
0x44: {  	_ =	shalt  }
0x45: {  	_ =	shalt  }
0x46: {  	_ =	shalt  }
0x47: {  	_ =	shalt  }
0x48: {  	_ =	shalt  }
0x49: {  	_ =	shalt  }
0x4a: {  	_ =	shalt  }
0x4b: {  	_ =	shalt  }
0x4c: {  	_ =	shalt  }
0x4d: {  	_ =	shalt  }
0x4e: {  	_ =	shalt  }
0x4f: {  	_ =	shalt  }
0x50: {  	_ =	shalt  }
0x51: {  	_ =	shalt  }
0x52: {  	_ =	shalt  }
0x53: {  	_ =	shalt  }
0x54: {  	_ =	shalt  }
0x55: {  	_ =	shalt  }
0x56: {  	_ =	shalt  }
0x57: {  	_ =	shalt  }
0x58: {  	_ =	shalt  }
0x59: {  	_ =	shalt  }
0x5a: {  	_ =	shalt  }
0x5b: {  	_ =	shalt  }
0x5c: {  	_ =	shalt  }
0x5d: {  	_ =	shalt  }
0x5e: {  	_ =	shalt  }
0x5f: {  	_ =	shalt  }
0x60: {  	_ =	shalt  }
0x61: {  	_ =	shalt  }
0x62: {  	_ =	shalt  }
0x63: {  	_ =	shalt  }
0x64: {  	_ =	shalt  }
0x65: {  	_ =	shalt  }
0x66: {  	_ =	shalt  }
0x67: {  	_ =	shalt  }
0x68: {  	_ =	shalt  }
0x69: {  	_ =	shalt  }
0x6a: {  	_ =	shalt  }
0x6b: {  	_ =	shalt  }
0x6c: {  	_ =	shalt  }
0x6d: {  	_ =	shalt  }
0x6e: {  	_ =	shalt  }
0x6f: {  	_ =	shalt  }
0x70: {  	_ =	shalt  }
0x71: {  	_ =	shalt  }
0x72: {  	_ =	shalt  }
0x73: {  	_ =	shalt  }
0x74: {  	_ =	shalt  }
0x75: {  	_ =	shalt  }
0x76: {  	_ =	shalt  }
0x77: {  	_ =	shalt  }
0x78: {  	_ =	shalt  }
0x79: {  	_ =	shalt  }
0x7a: {  	_ =	shalt  }
0x7b: {  	_ =	shalt  }
0x7c: {  	_ =	shalt  }
0x7d: {  	_ =	shalt  }
0x7e: {  	_ =	shalt  }
0x7f: {  	_ =	shalt  }
0x80: {  	_ =	shalt  }
0x81: {  	_ =	shalt  }
0x82: {  	_ =	shalt  }
0x83: {  	_ =	shalt  }
0x84: {  	_ =	shalt  }
0x85: {  	_ =	shalt  }
0x86: {  	_ =	shalt  }
0x87: {  	_ =	shalt  }
.Lfunc_end0:
.L_simem_size_0:
called_computation_lowered:
.L_overlay_start_0:
0x88: {  	s2 =	sld [smem:$0x3FD9]  }
0x89: {  	s3 =	sld [smem:$0x3FFE];
	_ =	sdelay $0x1  }
0x8a: {  	s1 =	srdreg.scid  }
0x8b: {  	s0 =	sand.u32 $0x1, s1  }
0x8c: {  	s17 =	sshll.u32 s0, $0xA;
	s2 =	sadd.s32 s3, s2  }
0x8d: {  	s2 =	sadd.s32 s2, s17  }
0x8e: {  	[smem:$0x3FC0] =	sst s2  }
0x8f: {  	_ = 	snop  }
0x90: {  	s2 =	sld [smem:$0x3FC8];
	(tm) =	ssettm $0x1  }
0x91: {  	s18 =	sld [smem:$0x3FFB];
	_ =	sdelay $0x3  }
0x92: {  	_ =	strace s18  }
0x93: {  	s3 =	sld [smem:$0x3FFC];
	_ =	sdelay $0x3  }
0x94: {  	_ =	strace s3  }
0x95: {  	s3 =	sld [smem:$0x3FFD];
	_ =	sdelay $0x3  }
0x96: {  	_ =	strace s3  }
0x97: {  	_ =	strace $0x8FFFFFFF  }
0x98: {  	s19 =	sld [smem:$0x3FDB];
	_ =	sdelay $0x1  }
0x99: {  	s4 =	simm.s32 $_scs_section_size  }
0x9a: {  	s5 =	simm.s32 $_size__tile_overlayer_lowered;
	s6 =	simm.s32 $_tile_overlayer_lowered  }
0x9b: {  	s22 =	simm.s32 $0x1BFF;
	s21 =	sshll.u32 s6, $0x1;
	s3 =	sadd.s32 s4, s19  }
0x9c: {  	s7 =	simm.s32 $0x0;
	s20 =	sshll.u32 s5, $0x1;
	s5 =	sadd.s32 s21, s3  }
0x9d: {  	[timem:s7], [sflag:s22] =	dma.local [hbm:s5], s20  }
0x9e: {  	_ =	swait.ge [sflag:s22], s20  }
0x9f: {  	s4 =	ssub.s32 $0x0, s20;
	[sflag:s22] =	ssyncset.done $0x0  }
0xa0: {  	[sflag:s22] =	ssyncadd.s32 s4;
	_ =	sdelay $0x1  }
0xa1: {  	s23 =	simm.s32 $0x1B8B  }
0xa2: {  	_ =	swait.ge [sflag:s23], $0x1  }
0xa3: {  	[sflag:s23] =	ssyncset.done $0x0  }
0xa4: {  	s25 =	simm.s32 $0x1B8E;
	s24 =	sld [smem:$0x3FFE];
	[sflag:s23] =	ssyncadd.s32 $0xFFFFFFFF  }
0xa5: {  	s26 =	simm.s32 $execute0_lowered;
	[smem:$0x3FD2] =	sst s25  }
0xa6: {  	s5 =	sshll.u32 s26, $0x1;
	_ =	strace $0x80000046;
	[dreg:$0x1] =	wrdreg $0xFFFFFFFF  }
0xa7: {  	s28 =	simm.s32 $_size_execute0_lowered;
	s3 =	sadd.s32 s3, s5;
	[dreg:$0x0] =	wrdreg $0x0  }
0xa8: {  	s5 =	sshll.u32 s28, $0x1;
	[dreg:$0x2] =	wrdreg s3  }
0xa9: {  	[dreg:$0x3] =	wrdreg s5  }
0xaa: {  	[dreg:$0x4] =	wrdreg $0xC0  }
0xab: {  	_ =	task [dreg:s7], $0x5FFFF  }
0xac: {  	[dreg:$0x1] =	wrdreg $0xFFFFFFFF  }
0xad: {  	[dreg:$0x0] =	wrdreg $0x60  }
0xae: {  	[dreg:$0x2] =	wrdreg s2  }
0xaf: {  	[dreg:$0x3] =	wrdreg s24  }
0xb0: {  	[dreg:$0x4] =	wrdreg $0x0  }
0xb1: {  	[dreg:$0x5] =	wrdreg $0x9  }
0xb2: {  	_ =	task.clear_ibuf [dreg:s7], $0x6FFFF;
	_ =	strace $0x90000046  }
0xb3: {  	s29 =	simm.s32 $0x9;
	_ =	strace $0x80000048  }
0xb4: {  	_ =	swait.ge [sflag:s29], $0x1  }
0xb5: {  	[sflag:s29] =	ssyncadd.s32 $0xFFFFFFFF  }
0xb6: {  	_ =	strace $0x90000048  }
0xb7: {  	_ =	sfence  }
0xb8: {  	s30 =	sld [smem:$0x0];
	_ =	sdelay $0x2  }
0xb9: {  	s31 =	sshll.u32 s1, $0xD;
	s1 =	sshrl.u32 s1, $0x2  }
0xba: {  	s3 =	sand.u32 $0x4000, s31;
	s1 =	sadd.s32 s1, s30  }
0xbb: {  	s0 =	sor.u32 s3, s0;
	s1 =	sshll.u32 s1, $0x11  }
0xbc: {  	s0 =	sor.u32 s1, s0  }
0xbd: {  	s0 =	sadd.s32 $0x8F2B, s0  }
0xbe: {  	[sflag:s0] =	ssyncadd.remote.s32 $0x1  }
0xbf: {  	_ =	sfence.sel $0xFFFF  }
0xc0: {  	[dreg:$0x0] =	wrdreg $0xFFFFFFFF;
	(pc) =	sbr.abs _section_cstart, $3  }
0xc1: {  	[dreg:$0x1] =	wrdreg $0xFFFFFFFF  }
0xc2: {  	_ =	task.clear_ibuf [dreg:s7], $0x2FFFF;
	_ =	strace $0x9FFFFFFF  }
0xc3: {  	(tm) =	ssettm $0x7FFFFFFF  }
tec
execute0_lowered:
.L_overlay_start_1:
0x0: {  	(tag) =	ssettag $0x1  }
0x1: {  	s5 =	rddreg [dreg:$0x0]  }
0x2: {  	s4 =	rddreg [dreg:$0x1]  }
0x3: {  	s2 =	rddreg [dreg:$0x2]  }
0x4: {  	s0 =	rddreg [dreg:$0x3]  }
0x5: {  	s6 =	srdreg.scid;
	s1 =	stileid.u32  }
0x6: {  	s3 =	simm.s32 $0x0;
	s12 =	simm.s32 $0x5200;
	s13 =	simm.s32 $0x80  }
0x7: {  	s14 =	simm.s32 $0x5180;
	s17 =	simm.s32 $0x20;
	s18 =	simm.s32 $0x10  }
0x8: {  	s19 =	simm.s32 $0x0;
	s6 =	sand.u32 $0x1, s6;
	s7 =	smul.u32 $0x500, s1  }
0x9: {  	[smem:$0x7FF] =	sst s3;
	s9 =	sshll.u32 s1, $0x1;
	p0 =	slt.u32 s1, $0x2  }
0xa: {  	s30 =	smul.u32 $0xA00, s1;
	s15 =	sshll.u32 s1, $0x6;
	s8 =	sshll.u32 s6, $0x7  }
0xb: {  	_ =	strace $0x80000047;
	s25 =	sor.u32 s6, s9;
	s6 =	ssub.s32 $0x2, s6  }
0xc: {  	s15 =	sor.u32 $0x1C01, s15;
	s7 =	sor.u32 s8, s7;
	s9 =	smul.u32 $0x4E, s25  }
0xd: {  	s26 =	sshrl.u32 s6, $0x1;
	s8 =	smul.u32 $0x4F00, s25;
	s7 =	sshrl.u32 s7, $0x3  }
0xe: {  	s31 =	sshrl.u32 s30, $0x2;
	s10 =	sadd.s32 s7, s4;
	s7 =	smul.u32 $0x4F, s25  }
0xf: {  	s11 =	ssub.s32 s6, s26;
	s9 =	sadd.s32 $0x4, s9;
	s4 =	simm.s32 $0x4F  }
0x10: {  	s29 =	sshrl.u32 s8, $0x3;
	s4 =	simm.s32 @!p0 $0x4E;
	s9 =	smov.u32 @p0 s7  }
0x11: {  	s8 =	sadd.s32 $0x1600, s10;
	s10 =	simm.s32 $0x280;
	s28 =	sshll.u32 s9, $0x5  }
0x12: {  	s7 =	sadd.s32 s5, s29;
	p0 =	sgt.u32 s1, $0x1;
	s6 =	sand.u32 $0x1FFFFFE0, s28  }
0x13: {  	s5 =	sadd.s32 s5, s6;
	s6 =	sadd.s32 $0x9C0, s7;
	s7 =	sadd.s32 s31, s2  }
0x14: {  	v0 =	vimm.f32 $0.0e+00;
	v1 =	vimm.f32 $1.000000000e+00;
	s9 =	smax.u32 s11, $0x1;
	s11 =	simm.s32 $0x1;
	s16 =	sshrl.u32 s7, $0x3  }
.LBB2_1:
0x15: {  	[tilespmem:s10], [sflag:$0x1] =	stream.linear.gather [hbm4b:s5+s3], $0x4E00, $0x38;
	[tilespmem:$0x5480] =	vst v63  }
0x16: {  	_ =	swait.ge [sflag:s11], $0x4E00  }
0x17: {  	[sflag:s11] =	ssyncset.done $0x0  }
0x18: {  	s20 =	simm.s32 @!p0 $0x0;
	s21 =	simm.s32 @!p0 $0x5080;
	[sflag:s11] =	ssyncadd.s32 $0xFFFFB200  }
0x19: {  	[tilespmem:s21], [sflag:$0x1] =	stream.linear.gather @!p0 [hbm4b:s6+s20], $0x100, $0x38;
	[tilespmem:$0x5480] =	vst v63  }
0x1a: {  	s20 =	simm.s32 @!p0 $0x1  }
0x1b: {  	_ =	swait.ge @!p0 [sflag:s20], $0x100  }
0x1c: {  	[sflag:s20] =	ssyncset.done @!p0 $0x0  }
0x1d: {  	[sflag:s20] =	ssyncadd.s32 @!p0 $0xFFFFFF00  }
0x1e: {  	[tilespmem:$0x5200] =	vst v0  }
0x1f: {  	[tilespmem:$0x5210] =	vst v0  }
0x20: {  	[tilespmem:$0x5220] =	vst v0  }
0x21: {  	[tilespmem:$0x5230] =	vst v0  }
0x22: {  	[tilespmem:$0x5240] =	vst v0  }
0x23: {  	[tilespmem:$0x5250] =	vst v0  }
0x24: {  	[tilespmem:$0x5260] =	vst v0  }
0x25: {  	[tilespmem:$0x5270] =	vst v0  }
0x26: {  	[tilespmem:$0x5280] =	vst v0  }
0x27: {  	[tilespmem:$0x5290] =	vst v0  }
0x28: {  	[tilespmem:$0x52A0] =	vst v0  }
0x29: {  	[tilespmem:$0x52B0] =	vst v0  }
0x2a: {  	[tilespmem:$0x52C0] =	vst v0  }
0x2b: {  	[tilespmem:$0x52D0] =	vst v0  }
0x2c: {  	[tilespmem:$0x52E0] =	vst v0  }
0x2d: {  	[tilespmem:$0x52F0] =	vst v0  }
0x2e: {  	[tilespmem:$0x5300] =	vst v0  }
0x2f: {  	[tilespmem:$0x5310] =	vst v0  }
0x30: {  	[tilespmem:$0x5320] =	vst v0  }
0x31: {  	[tilespmem:$0x5330] =	vst v0  }
0x32: {  	[tilespmem:$0x5340] =	vst v0  }
0x33: {  	[tilespmem:$0x5350] =	vst v0  }
0x34: {  	[tilespmem:$0x5360] =	vst v0  }
0x35: {  	[tilespmem:$0x5370] =	vst v0  }
0x36: {  	[tilespmem:$0x5380] =	vst v0  }
0x37: {  	[tilespmem:$0x5390] =	vst v0  }
0x38: {  	[tilespmem:$0x53A0] =	vst v0  }
0x39: {  	[tilespmem:$0x53B0] =	vst v0  }
0x3a: {  	[tilespmem:$0x53C0] =	vst v0  }
0x3b: {  	[tilespmem:$0x53D0] =	vst v0  }
0x3c: {  	[tilespmem:$0x53E0] =	vst v0  }
0x3d: {  	[tilespmem:$0x53F0] =	vst v0  }
0x3e: {  	[tilespmem:$0x5400] =	vst v0  }
0x3f: {  	[tilespmem:$0x5410] =	vst v0  }
0x40: {  	[tilespmem:$0x5420] =	vst v0  }
0x41: {  	[tilespmem:$0x5430] =	vst v0  }
0x42: {  	[tilespmem:$0x5440] =	vst v0  }
0x43: {  	[tilespmem:$0x5450] =	vst v0  }
0x44: {  	[tilespmem:$0x5460] =	vst v0  }
0x45: {  	[tilespmem:$0x5470] =	vst v0  }
0x46: {  	[spmem:s7] =	stream.linear.scatter [tilespmem:s12], [sflag:$0x1], $0x280, $0x38;
	[tilespmem:$0x5480] =	vst v63  }
0x47: {  	_ =	swait.ge [sflag:s11], $0x280  }
0x48: {  	[sflag:s11] =	ssyncset.done $0x0  }
0x49: {  	[sflag:s11] =	ssyncadd.s32 $0xFFFFFD80  }
0x4a: {  	[tilespmem:$0x5180] =	vst v1  }
0x4b: {  	[tilespmem:$0x5190] =	vst v1  }
0x4c: {  	[tilespmem:$0x51A0] =	vst v1  }
0x4d: {  	[tilespmem:$0x51B0] =	vst v1  }
0x4e: {  	[tilespmem:$0x51C0] =	vst v1  }
0x4f: {  	[tilespmem:$0x51D0] =	vst v1  }
0x50: {  	p1 =	sne.s32 s4, $0x1;
	[tilespmem:$0x51E0] =	vst v1  }
.Ltmp0:
0x51: {  	[tilespmem:$0x51F0] =	vst v1;
	(pc) =	sbr.rel @!p1 .LBB2_3-.Ltmp0, $4  }
0x52: {  	s20 =	simm.s32 $0x300;
	[bflag:$0x0] =	sbarrier.arrive $0xFFFF  }
0x53: {  	[spmem:s2] =	stream.indirect.scatter.add.f32 [tilespmem:s14], [sflag:$0x1], $0x1, s20, s13, $0xb8;
	[tilespmem:$0x5480] =	vst v63  }
0x54: {  	_ =	swait.ge [sflag:s11], $0x80  }
0x55: {  	s21 =	sadd.s32 $0xFFFFFFFF, s4;
	[sflag:s11] =	ssyncset.done $0x0  }
.LBB2_2:
0x56: {  	p1 =	sne.s32 s21, $0x1;
	[sflag:s11] =	ssyncadd.s32 $0xFFFFFF80;
	s20 =	sadd.s32 $0x100, s20  }
.Ltmp1:
0x57: {  	s21 =	sadd.s32 $0xFFFFFFFF, s21;
	(pc) =	sbr.rel @p1 .LBB2_2-.Ltmp1, $4  }
0x58: {  	_ = 	snop  }
0x59: {  	[spmem:s2] =	stream.indirect.scatter.add.f32 [tilespmem:s14], [sflag:$0x1], $0x1, s20, s13, $0xb8;
	[tilespmem:$0x5480] =	vst v63  }
0x5a: {  	_ =	swait.ge [sflag:s11], $0x80  }
0x5b: {  	[sflag:s11] =	ssyncset.done $0x0  }
.LBB2_3:
0x5c: {  	s19 =	sadd.s32 $0x1, s19  }
0x5d: {  	[sflag:s11] =	ssyncadd.s32 $0xFFFFFF80;
	p1 =	sne.s32 s19, s9  }
.Ltmp2:
0x5e: {  	[bflag:$0x0] =	sbarrier.arrive $0xFFFF;
	(pc) =	sbr.rel @p1 .LBB2_1-.Ltmp2, $4  }
0x5f: {  	[hbm:s8@s17], [sflag:s15] =	dma.strided [spmem:s16@s18], $0x50, s11, $0x10   }
0x60: {  	_ =	swait.ge [sflag:s11], $0x50  }
0x61: {  	[sflag:s11] =	ssyncset.done $0x0  }
0x62: {  	[sflag:s11] =	ssyncadd.s32 $0xFFFFFFB0  }
0x63: {  	_ =	sfence.sel $0x180000  }
0x64: {  	[bflag:$0x0] =	sbarrier.arrive $0xFFFF  }
0x65: {  	p0 =	sne.s32 s1, $0x0;
	_ =	strace $0x90000047  }
0x66: {  	s0 =	sadd.s32 @!p0 $0x100000, s0;
	[bflag:$0x2] =	sbarrier.arrive $0xFFFF  }
0x67: {  	[sflag:s0] =	ssyncadd.tile.s32 @!p0 $0x1;
	_ =	shalt  }
.Lfunc_end2:
_tile_overlayer_lowered:
.L_overlay_start_2:
0x68: {  	(tag) =	ssettag $0x2  }
0x69: {  	s0 =	rddreg [dreg:$0x0];
	s2 =	stileid.u32  }
0x6a: {  	s1 =	rddreg [dreg:$0x1];
	p0 =	sne.s32 s2, $0x0  }
0x6b: {  	s3 =	rddreg [dreg:$0x2];
	[bflag:$0x3] =	sbarrier.arrive $0xFFFF;
	s2 =	simm.s32 @!p0 $0x1C01  }
0x6c: {  	[timem:s3], [sflag:s2] =	dma.local @!p0 [hbm:s0], s1  }
0x6d: {  	s0 =	simm.s32 @!p0 $0x1  }
0x6e: {  	_ =	swait.ge @!p0 [sflag:s0], s1  }
0x6f: {  	s1 =	ssub.s32 @!p0 $0x0, s1;
	[sflag:s0] =	ssyncset.done @!p0 $0x0  }
0x70: {  	[sflag:s0] =	ssyncadd.s32 @!p0 s1  }
0x71: {  	[bflag:$0x3] =	sbarrier.arrive $0xFFFF  }
0x72: {  	_ =	shalt  }

</sc_bundles>
